<compile_context>
chip_gen: v7x
topology: tpu7x:2x2x1
jax: 0.10.2.dev20260603
libtpu: 0.0.44.dev20260713+nightly
codegen_flags: <defaults>
</compile_context>

<pallas_src>
import functools

import jax
import jax.numpy as jnp
import numpy as np
from jax import lax
from jax.experimental import pallas as pl
from jax.experimental.pallas import tpu as pltpu
from jax.experimental.pallas import tpu_sc as plsc

_MAX_LEN = 200
_EMB_DIM = 64
_LANES = 16
_NBUF = 4
_PITCH = 208
_C0, _C1 = 104, 96


def _make_pe() -> np.ndarray:
    pos = np.expand_dims(np.arange(_MAX_LEN), 1)
    pe = pos / np.power(1000, 2 * np.expand_dims(np.arange(_EMB_DIM), 0) / _EMB_DIM)
    pe[:, 0::2] = np.sin(pe[:, 0::2])
    pe[:, 1::2] = np.cos(pe[:, 1::2])
    return pe.astype(np.float32)


_PE = _make_pe()


@functools.cache
def _build(batch: int, max_len: int, emb_dim: int, n_vocab: int):
    info = plsc.get_sparse_core_info()
    nc, ns = info.num_cores, info.num_subcores
    nw = nc * ns
    assert batch % (nw * 128) == 0 and max_len % 8 == 0
    rows_per_w = batch // nw
    ptiles = max_len // 8

    mesh = plsc.VectorSubcoreMesh(core_axis_name="c", subcore_axis_name="s")

    @functools.partial(
        pl.kernel,
        out_type=jax.ShapeDtypeStruct((batch, max_len, emb_dim), jnp.float32),
        mesh=mesh,
        scratch_types=[
            pltpu.VMEM((ptiles, 8, 128), jnp.int32),
            pltpu.VMEM((rows_per_w * _PITCH,), jnp.int32),
            pltpu.VMEM((_NBUF, max_len, emb_dim), jnp.float32),
            pltpu.VMEM((max_len * emb_dim,), jnp.float32),
            pltpu.SemaphoreType.DMA,
            pltpu.SemaphoreType.DMA((_NBUF,)),
            pltpu.SemaphoreType.DMA((_NBUF,)),
        ],
        compiler_params=pltpu.CompilerParams(
            use_tc_tiling_on_sc=False,
            skip_device_barrier=True,
            needs_layout_passes=False,
        ),
    )
    def k(xa_hbm, table_hbm, pe_hbm, out_hbm, ivr, ivt, rows_v, pe_v, xsem, gsem, osem):
        wid = lax.axis_index("s") * nc + lax.axis_index("c")
        base = wid * rows_per_w

        pltpu.make_async_copy(xa_hbm.at[:, wid], ivr, xsem).start()
        pltpu.sync_copy(pe_hbm, pe_v)
        pltpu.make_async_copy(xa_hbm.at[:, wid], ivr, xsem).wait()

        lanes = lax.iota(jnp.int32, _LANES)

        def tr_body(p, _):
            t = p // 8
            s = p % 8
            for g in range(128 // _LANES):
                v = ivr[t, s, pl.ds(g * _LANES, _LANES)]
                dst = (g * _LANES + lanes) * _PITCH + p
                plsc.store_scatter(ivt, [dst], v)
            return _

        lax.fori_loop(0, max_len, tr_body, None)

        def gathers(i, j):
            off = i * _PITCH
            return (
                pltpu.make_async_copy(
                    table_hbm.at[ivt.at[pl.ds(off, _C0)]],
                    rows_v.at[j, pl.ds(0, _C0)],
                    gsem.at[j],
                ),
                pltpu.make_async_copy(
                    table_hbm.at[ivt.at[pl.ds(off + _C0, _C1)]],
                    rows_v.at[j, pl.ds(_C0, _C1)],
                    gsem.at[j],
                ),
            )

        def out_copy(i, j):
            return pltpu.make_async_copy(
                rows_v.at[j], out_hbm.at[base + i], osem.at[j]
            )

        for j in range(2):
            for g in gathers(j, j):
                g.start()

        def outer(o, _):
            for j in range(_NBUF):
                i = o * _NBUF + j
                g0, g1 = gathers(i, j)
                g0.wait()
                g1.wait()

                def add_row(p, _):
                    for c in range(emb_dim // _LANES):
                        sl = pl.ds(c * _LANES, _LANES)
                        plsc.addupdate(
                            rows_v.at[j, p, sl], pe_v[pl.ds(p * emb_dim + c * _LANES, _LANES)]
                        )
                    return _

                lax.fori_loop(0, max_len, add_row, None)

                out_copy(i, j).start()

                jg = (j + 2) % _NBUF
                @pl.when(jnp.logical_and(i >= 2, i + 2 < rows_per_w))
                def _():
                    out_copy(i - 2, jg).wait()

                @pl.when(i + 2 < rows_per_w)
                def _():
                    for g in gathers(i + 2, jg):
                        g.start()
            return _

        lax.fori_loop(0, rows_per_w // _NBUF, outer, None)

        out_copy(rows_per_w - 2, (rows_per_w - 2) % _NBUF).wait()
        out_copy(rows_per_w - 1, (rows_per_w - 1) % _NBUF).wait()

    return k


def kernel(x, table):
    batch, max_len = x.shape
    n_vocab, emb_dim = table.shape
    k = _build(batch, max_len, emb_dim, n_vocab)
    xa = x.reshape(batch // 128, 128, max_len // 8, 8).transpose(2, 0, 3, 1)
    return k(xa, table, jnp.asarray(_PE.reshape(-1)))

# --- scband reference (transcript-rebuilt; emitter-appended) ---
"""Pipeline reference for scband-position-embedding-24885040513053 (READ-ONLY COPY).

The authoritative reference and input builder live on the scoring server;
editing this copy changes nothing except your own understanding.
"""

import jax, jax.numpy as jnp
import numpy as np

MAX_LEN = 200
EMB_DIM = 64
N_VOCAB = 1000000
BATCH = 4096

def _make_pe():
    pos = np.expand_dims(np.arange(MAX_LEN), 1)
    pe = pos / np.power(1000, 2 * np.expand_dims(np.arange(EMB_DIM), 0) / EMB_DIM)
    pe[:, 0::2] = np.sin(pe[:, 0::2])
    pe[:, 1::2] = np.cos(pe[:, 1::2])
    pe = np.expand_dims(pe, 0)
    return jnp.asarray(pe, dtype=jnp.float32)

PE = _make_pe()

def setup_inputs(seed: int = 0) -> dict:
    key = jax.random.key(seed)
    k1, k2 = jax.random.split(key)
    x = jax.random.randint(k1, (BATCH, MAX_LEN), 0, N_VOCAB, dtype=jnp.int32)
    table = jax.random.normal(k2, (N_VOCAB, EMB_DIM), dtype=jnp.float32) * 0.1
    return {"x": x, "table": table}

def reference(x, table):
    # embedding lookup (gather) + broadcast add of sinusoidal position encoding
    x_embed = jnp.take(table, x, axis=0) + PE
    return x_embed

if __name__ == "__main__":
    import jax
    _d = setup_inputs()
    print(jax.jit(kernel)(*tuple(_d.values())))

</pallas_src>

<mosaic_0001>
#map = affine_map<(d0, d1) -> (0, 0, 0, 0)>
#map1 = affine_map<(d0, d1) -> (0, 0)>
#map2 = affine_map<(d0, d1) -> (0)>
#map3 = affine_map<(d0, d1) -> (0, 0, 0)>
module attributes {stable_mosaic.version = 14 : i64} {
  func.func @k(%arg0: i32, %arg1: i32, %arg2: memref<25x32x8x128xi32, #tpu.memory_space<hbm>>, %arg3: memref<1000000x64xf32, #tpu.memory_space<hbm>>, %arg4: memref<12800xf32, #tpu.memory_space<hbm>>, %arg5: memref<4096x200x64xf32, #tpu.memory_space<hbm>>, %arg6: memref<25x8x128xi32, #tpu.memory_space<vmem>>, %arg7: memref<26624xi32, #tpu.memory_space<vmem>>, %arg8: memref<4x200x64xf32, #tpu.memory_space<vmem>>, %arg9: memref<12800xf32, #tpu.memory_space<vmem>>, %arg10: memref<!tpu.dma_semaphore, #tpu.memory_space<semaphore_mem>>, %arg11: memref<4x!tpu.dma_semaphore, #tpu.memory_space<semaphore_mem>>, %arg12: memref<4x!tpu.dma_semaphore, #tpu.memory_space<semaphore_mem>>) attributes {dimension_semantics = [#tpu.dimension_semantics<core_parallel>, #tpu.dimension_semantics<subcore_parallel>], iteration_bounds = array<i64: 2, 16>, scalar_prefetch = 0 : i64, scratch_operands = 7 : i64, tpu.core_type = #tpu.core_type<sc_vector_subcore>, window_params = [{transform_indices = #map}, {transform_indices = #map1}, {transform_indices = #map2}, {transform_indices = #map3}]} {
    %mul3A = arith.constant 2 : i32
    %mul3A_0 = arith.muli %arg1, %mul3A : i32
    %add3A = arith.addi %mul3A_0, %arg0 : i32
    %mul3A_1 = arith.constant 128 : i32
    %mul3A_2 = arith.muli %add3A, %mul3A_1 : i32
    %dma_start3A = arith.constant 0 : i32
    %dma_start3A_3 = arith.constant 0 : i32
    %dma_start3A_4 = arith.constant 0 : i32
    %dma_start3A_5 = tpu.memref_slice %arg2[%dma_start3A, %add3A, %dma_start3A_3, %dma_start3A_4] : memref<25x32x8x128xi32, #tpu.memory_space<hbm>> -> memref<25x1x8x128xi32, #tpu.memory_space<hbm>>
    %dma_start3A_6 = tpu.memref_squeeze %dma_start3A_5 : memref<25x1x8x128xi32, #tpu.memory_space<hbm>> -> memref<25x8x128xi32, #tpu.memory_space<hbm>>
    %dma_start3A_7 = arith.constant 0 : i32
    %dma_start3A_8 = arith.constant 0 : i32
    %dma_start3A_9 = arith.constant 0 : i32
    %dma_start3A_10 = tpu.memref_slice %arg2[%dma_start3A_7, %add3A, %dma_start3A_8, %dma_start3A_9] : memref<25x32x8x128xi32, #tpu.memory_space<hbm>> -> memref<25x1x8x128xi32, #tpu.memory_space<hbm>>
    %dma_start3A_11 = tpu.memref_squeeze %dma_start3A_10 : memref<25x1x8x128xi32, #tpu.memory_space<hbm>> -> memref<25x8x128xi32, #tpu.memory_space<hbm>>
    tpu.enqueue_dma source(%dma_start3A_11 : memref<25x8x128xi32, #tpu.memory_space<hbm>>) target(%arg6 : memref<25x8x128xi32, #tpu.memory_space<vmem>>) target_semaphore(%arg10 : memref<!tpu.dma_semaphore, #tpu.memory_space<semaphore_mem>>)
    "tpu.region"() ({
      %run_scoped3A = tpu.sem_alloc : memref<!tpu.dma_semaphore, #tpu.memory_space<semaphore_mem>>
      tpu.enqueue_dma source(%arg4 : memref<12800xf32, #tpu.memory_space<hbm>>) target(%arg9 : memref<12800xf32, #tpu.memory_space<vmem>>) target_semaphore(%run_scoped3A : memref<!tpu.dma_semaphore, #tpu.memory_space<semaphore_mem>>)
      tpu.wait_dma2 semaphore(%run_scoped3A : memref<!tpu.dma_semaphore, #tpu.memory_space<semaphore_mem>>) src(%arg4 : memref<12800xf32, #tpu.memory_space<hbm>>) dst(%arg9 : memref<12800xf32, #tpu.memory_space<vmem>>)
      tpu.yield
    }) : () -> ()
    %dma_wait3A = arith.constant 0 : i32
    %dma_wait3A_12 = arith.constant 0 : i32
    %dma_wait3A_13 = arith.constant 0 : i32
    %dma_wait3A_14 = tpu.memref_slice %arg2[%dma_wait3A, %add3A, %dma_wait3A_12, %dma_wait3A_13] : memref<25x32x8x128xi32, #tpu.memory_space<hbm>> -> memref<25x1x8x128xi32, #tpu.memory_space<hbm>>
    %dma_wait3A_15 = tpu.memref_squeeze %dma_wait3A_14 : memref<25x1x8x128xi32, #tpu.memory_space<hbm>> -> memref<25x8x128xi32, #tpu.memory_space<hbm>>
    %dma_wait3A_16 = arith.constant 0 : i32
    %dma_wait3A_17 = arith.constant 0 : i32
    %dma_wait3A_18 = arith.constant 0 : i32
    %dma_wait3A_19 = tpu.memref_slice %arg2[%dma_wait3A_16, %add3A, %dma_wait3A_17, %dma_wait3A_18] : memref<25x32x8x128xi32, #tpu.memory_space<hbm>> -> memref<25x1x8x128xi32, #tpu.memory_space<hbm>>
    %dma_wait3A_20 = tpu.memref_squeeze %dma_wait3A_19 : memref<25x1x8x128xi32, #tpu.memory_space<hbm>> -> memref<25x8x128xi32, #tpu.memory_space<hbm>>
    tpu.wait_dma2 semaphore(%arg10 : memref<!tpu.dma_semaphore, #tpu.memory_space<semaphore_mem>>) src(%dma_wait3A_20 : memref<25x8x128xi32, #tpu.memory_space<hbm>>) dst(%arg6 : memref<25x8x128xi32, #tpu.memory_space<vmem>>)
    %iota3A = tpu.iota {dimensions = array<i32: 0>} : vector<16xi32>
    %scan3A = arith.constant 0 : i32
    %scan3A_21 = arith.constant 200 : i32
    %scan3A_22 = arith.addi %scan3A, %scan3A_21 : i32
    %scan3A_23 = arith.constant 1 : i32
    scf.for %scan3A_126 = %scan3A to %scan3A_22 step %scan3A_23  : i32 {
      %jit3A = arith.constant 8 : i32
      %div3A = arith.divsi %scan3A_126, %jit3A : i32
      %sign3A = arith.constant 0 : i32
      %sign3A_127 = arith.cmpi sgt, %scan3A_126, %sign3A : i32
      %sign3A_128 = arith.extui %sign3A_127 : i1 to i32
      %sign3A_129 = arith.constant 0 : i32
      %sign3A_130 = arith.cmpi slt, %scan3A_126, %sign3A_129 : i32
      %sign3A_131 = arith.extui %sign3A_130 : i1 to i32
      %sign3A_132 = arith.subi %sign3A_128, %sign3A_131 : i32
      %sign3A_133 = arith.constant 0 : i32
      %sign3A_134 = arith.cmpi sgt, %jit3A, %sign3A_133 : i32
      %sign3A_135 = arith.extui %sign3A_134 : i1 to i32
      %sign3A_136 = arith.constant 0 : i32
      %sign3A_137 = arith.cmpi slt, %jit3A, %sign3A_136 : i32
      %sign3A_138 = arith.extui %sign3A_137 : i1 to i32
      %sign3A_139 = arith.subi %sign3A_135, %sign3A_138 : i32
      %ne3A = arith.cmpi ne, %sign3A_132, %sign3A_139 : i32
      %rem3A = arith.remsi %scan3A_126, %jit3A : i32
      %ne3A_140 = arith.constant 0 : i32
      %ne3A_141 = arith.cmpi ne, %rem3A, %ne3A_140 : i32
      %and3A = arith.andi %ne3A, %ne3A_141 : i1
      %sub3A = arith.constant 1 : i32
      %sub3A_142 = arith.subi %div3A, %sub3A : i32
      %select_n3A = arith.select %and3A, %sub3A_142, %div3A : i32
      %jit3A_143 = arith.constant 8 : i32
      %eq3A = arith.constant 0 : i32
      %eq3A_144 = arith.cmpi eq, %jit3A_143, %eq3A : i32
      %jit3A_145 = arith.constant 1 : i32
      %select_n3A_146 = arith.select %eq3A_144, %jit3A_145, %jit3A_143 : i32
      %rem3A_147 = arith.remsi %scan3A_126, %select_n3A_146 : i32
      %ne3A_148 = arith.constant 0 : i32
      %ne3A_149 = arith.cmpi ne, %rem3A_147, %ne3A_148 : i32
      %lt3A = arith.constant 0 : i32
      %lt3A_150 = arith.cmpi slt, %rem3A_147, %lt3A : i32
      %lt3A_151 = arith.constant 0 : i32
      %lt3A_152 = arith.cmpi slt, %select_n3A_146, %lt3A_151 : i32
      %ne3A_153 = arith.xori %lt3A_150, %lt3A_152 : i1
      %and3A_154 = arith.andi %ne3A_153, %ne3A_149 : i1
      %add3A_155 = arith.addi %rem3A_147, %select_n3A_146 : i32
      %select_n3A_156 = arith.select %and3A_154, %add3A_155, %rem3A_147 : i32
      %get3A = arith.index_cast %select_n3A : i32 to index
      %get3A_157 = arith.index_cast %select_n3A_156 : i32 to index
      %get3A_158 = arith.constant 0 : index
      %get3A_159 = tpu.vector_load %arg6[%get3A, %get3A_157, %get3A_158] {strides = array<i32>} : memref<25x8x128xi32, #tpu.memory_space<vmem>>, vector<16xi32>,
      %add3A_160 = arith.constant 0 : i32
      %add3A_161 = vector.broadcast %add3A_160 : i32 to vector<16xi32>
      %add3A_162 = arith.addi %add3A_161, %iota3A : vector<16xi32>
      %mul3A_163 = arith.constant 208 : i32
      %mul3A_164 = vector.broadcast %mul3A_163 : i32 to vector<16xi32>
      %mul3A_165 = arith.muli %add3A_162, %mul3A_164 : vector<16xi32>
      %add3A_166 = vector.broadcast %scan3A_126 : i32 to vector<16xi32>
      %add3A_167 = arith.addi %mul3A_165, %add3A_166 : vector<16xi32>
      tpu.vector_store_idx %arg7[%add3A_167], %get3A_159 : memref<26624xi32, #tpu.memory_space<vmem>>[vector<16xi32>], vector<16xi32>,
      %get3A_168 = arith.index_cast %select_n3A : i32 to index
      %get3A_169 = arith.index_cast %select_n3A_156 : i32 to index
      %get3A_170 = arith.constant 16 : index
      %get3A_171 = tpu.vector_load %arg6[%get3A_168, %get3A_169, %get3A_170] {strides = array<i32>} : memref<25x8x128xi32, #tpu.memory_space<vmem>>, vector<16xi32>,
      %add3A_172 = arith.constant 16 : i32
      %add3A_173 = vector.broadcast %add3A_172 : i32 to vector<16xi32>
      %add3A_174 = arith.addi %add3A_173, %iota3A : vector<16xi32>
      %mul3A_175 = arith.constant 208 : i32
      %mul3A_176 = vector.broadcast %mul3A_175 : i32 to vector<16xi32>
      %mul3A_177 = arith.muli %add3A_174, %mul3A_176 : vector<16xi32>
      %add3A_178 = vector.broadcast %scan3A_126 : i32 to vector<16xi32>
      %add3A_179 = arith.addi %mul3A_177, %add3A_178 : vector<16xi32>
      tpu.vector_store_idx %arg7[%add3A_179], %get3A_171 : memref<26624xi32, #tpu.memory_space<vmem>>[vector<16xi32>], vector<16xi32>,
      %get3A_180 = arith.index_cast %select_n3A : i32 to index
      %get3A_181 = arith.index_cast %select_n3A_156 : i32 to index
      %get3A_182 = arith.constant 32 : index
      %get3A_183 = tpu.vector_load %arg6[%get3A_180, %get3A_181, %get3A_182] {strides = array<i32>} : memref<25x8x128xi32, #tpu.memory_space<vmem>>, vector<16xi32>,
      %add3A_184 = arith.constant 32 : i32
      %add3A_185 = vector.broadcast %add3A_184 : i32 to vector<16xi32>
      %add3A_186 = arith.addi %add3A_185, %iota3A : vector<16xi32>
      %mul3A_187 = arith.constant 208 : i32
      %mul3A_188 = vector.broadcast %mul3A_187 : i32 to vector<16xi32>
      %mul3A_189 = arith.muli %add3A_186, %mul3A_188 : vector<16xi32>
      %add3A_190 = vector.broadcast %scan3A_126 : i32 to vector<16xi32>
      %add3A_191 = arith.addi %mul3A_189, %add3A_190 : vector<16xi32>
      tpu.vector_store_idx %arg7[%add3A_191], %get3A_183 : memref<26624xi32, #tpu.memory_space<vmem>>[vector<16xi32>], vector<16xi32>,
      %get3A_192 = arith.index_cast %select_n3A : i32 to index
      %get3A_193 = arith.index_cast %select_n3A_156 : i32 to index
      %get3A_194 = arith.constant 48 : index
      %get3A_195 = tpu.vector_load %arg6[%get3A_192, %get3A_193, %get3A_194] {strides = array<i32>} : memref<25x8x128xi32, #tpu.memory_space<vmem>>, vector<16xi32>,
      %add3A_196 = arith.constant 48 : i32
      %add3A_197 = vector.broadcast %add3A_196 : i32 to vector<16xi32>
      %add3A_198 = arith.addi %add3A_197, %iota3A : vector<16xi32>
      %mul3A_199 = arith.constant 208 : i32
      %mul3A_200 = vector.broadcast %mul3A_199 : i32 to vector<16xi32>
      %mul3A_201 = arith.muli %add3A_198, %mul3A_200 : vector<16xi32>
      %add3A_202 = vector.broadcast %scan3A_126 : i32 to vector<16xi32>
      %add3A_203 = arith.addi %mul3A_201, %add3A_202 : vector<16xi32>
      tpu.vector_store_idx %arg7[%add3A_203], %get3A_195 : memref<26624xi32, #tpu.memory_space<vmem>>[vector<16xi32>], vector<16xi32>,
      %get3A_204 = arith.index_cast %select_n3A : i32 to index
      %get3A_205 = arith.index_cast %select_n3A_156 : i32 to index
      %get3A_206 = arith.constant 64 : index
      %get3A_207 = tpu.vector_load %arg6[%get3A_204, %get3A_205, %get3A_206] {strides = array<i32>} : memref<25x8x128xi32, #tpu.memory_space<vmem>>, vector<16xi32>,
      %add3A_208 = arith.constant 64 : i32
      %add3A_209 = vector.broadcast %add3A_208 : i32 to vector<16xi32>
      %add3A_210 = arith.addi %add3A_209, %iota3A : vector<16xi32>
      %mul3A_211 = arith.constant 208 : i32
      %mul3A_212 = vector.broadcast %mul3A_211 : i32 to vector<16xi32>
      %mul3A_213 = arith.muli %add3A_210, %mul3A_212 : vector<16xi32>
      %add3A_214 = vector.broadcast %scan3A_126 : i32 to vector<16xi32>
      %add3A_215 = arith.addi %mul3A_213, %add3A_214 : vector<16xi32>
      tpu.vector_store_idx %arg7[%add3A_215], %get3A_207 : memref<26624xi32, #tpu.memory_space<vmem>>[vector<16xi32>], vector<16xi32>,
      %get3A_216 = arith.index_cast %select_n3A : i32 to index
      %get3A_217 = arith.index_cast %select_n3A_156 : i32 to index
      %get3A_218 = arith.constant 80 : index
      %get3A_219 = tpu.vector_load %arg6[%get3A_216, %get3A_217, %get3A_218] {strides = array<i32>} : memref<25x8x128xi32, #tpu.memory_space<vmem>>, vector<16xi32>,
      %add3A_220 = arith.constant 80 : i32
      %add3A_221 = vector.broadcast %add3A_220 : i32 to vector<16xi32>
      %add3A_222 = arith.addi %add3A_221, %iota3A : vector<16xi32>
      %mul3A_223 = arith.constant 208 : i32
      %mul3A_224 = vector.broadcast %mul3A_223 : i32 to vector<16xi32>
      %mul3A_225 = arith.muli %add3A_222, %mul3A_224 : vector<16xi32>
      %add3A_226 = vector.broadcast %scan3A_126 : i32 to vector<16xi32>
      %add3A_227 = arith.addi %mul3A_225, %add3A_226 : vector<16xi32>
      tpu.vector_store_idx %arg7[%add3A_227], %get3A_219 : memref<26624xi32, #tpu.memory_space<vmem>>[vector<16xi32>], vector<16xi32>,
      %get3A_228 = arith.index_cast %select_n3A : i32 to index
      %get3A_229 = arith.index_cast %select_n3A_156 : i32 to index
      %get3A_230 = arith.constant 96 : index
      %get3A_231 = tpu.vector_load %arg6[%get3A_228, %get3A_229, %get3A_230] {strides = array<i32>} : memref<25x8x128xi32, #tpu.memory_space<vmem>>, vector<16xi32>,
      %add3A_232 = arith.constant 96 : i32
      %add3A_233 = vector.broadcast %add3A_232 : i32 to vector<16xi32>
      %add3A_234 = arith.addi %add3A_233, %iota3A : vector<16xi32>
      %mul3A_235 = arith.constant 208 : i32
      %mul3A_236 = vector.broadcast %mul3A_235 : i32 to vector<16xi32>
      %mul3A_237 = arith.muli %add3A_234, %mul3A_236 : vector<16xi32>
      %add3A_238 = vector.broadcast %scan3A_126 : i32 to vector<16xi32>
      %add3A_239 = arith.addi %mul3A_237, %add3A_238 : vector<16xi32>
      tpu.vector_store_idx %arg7[%add3A_239], %get3A_231 : memref<26624xi32, #tpu.memory_space<vmem>>[vector<16xi32>], vector<16xi32>,
      %get3A_240 = arith.index_cast %select_n3A : i32 to index
      %get3A_241 = arith.index_cast %select_n3A_156 : i32 to index
      %get3A_242 = arith.constant 112 : index
      %get3A_243 = tpu.vector_load %arg6[%get3A_240, %get3A_241, %get3A_242] {strides = array<i32>} : memref<25x8x128xi32, #tpu.memory_space<vmem>>, vector<16xi32>,
      %add3A_244 = arith.constant 112 : i32
      %add3A_245 = vector.broadcast %add3A_244 : i32 to vector<16xi32>
      %add3A_246 = arith.addi %add3A_245, %iota3A : vector<16xi32>
      %mul3A_247 = arith.constant 208 : i32
      %mul3A_248 = vector.broadcast %mul3A_247 : i32 to vector<16xi32>
      %mul3A_249 = arith.muli %add3A_246, %mul3A_248 : vector<16xi32>
      %add3A_250 = vector.broadcast %scan3A_126 : i32 to vector<16xi32>
      %add3A_251 = arith.addi %mul3A_249, %add3A_250 : vector<16xi32>
      tpu.vector_store_idx %arg7[%add3A_251], %get3A_243 : memref<26624xi32, #tpu.memory_space<vmem>>[vector<16xi32>], vector<16xi32>,
    }
    %scan3A_24 = arith.constant 200 : i32
    %dma_start3A_25 = arith.constant 0 : i32
    %dma_start3A_26 = arith.constant 0 : i32
    %dma_start3A_27 = arith.constant 0 : i32
    %dma_start3A_28 = arith.constant 0 : i32
    %dma_start3A_29 = tpu.memref_slice %arg8[%dma_start3A_25, %dma_start3A_27, %dma_start3A_28] : memref<4x200x64xf32, #tpu.memory_space<vmem>> -> memref<1x104x64xf32, #tpu.memory_space<vmem>>
    %dma_start3A_30 = tpu.memref_squeeze %dma_start3A_29 : memref<1x104x64xf32, #tpu.memory_space<vmem>> -> memref<104x64xf32, #tpu.memory_space<vmem>>
    %dma_start3A_31 = arith.constant 0 : i32
    %dma_start3A_32 = tpu.memref_slice %arg7[%dma_start3A_31] : memref<26624xi32, #tpu.memory_space<vmem>> -> memref<104xi32, #tpu.memory_space<vmem>>
    %dma_start3A_33 = arith.constant 0 : i32
    %dma_start3A_34 = arith.constant 0 : i32
    %dma_start3A_35 = tpu.memref_slice %arg3[%dma_start3A_33, %dma_start3A_34] : memref<1000000x64xf32, #tpu.memory_space<hbm>> -> memref<1000000x64xf32, #tpu.memory_space<hbm>>
    %dma_start3A_36 = tpu.memref_slice %arg11[%dma_start3A_26] : memref<4x!tpu.dma_semaphore, #tpu.memory_space<semaphore_mem>> -> memref<1x!tpu.dma_semaphore, #tpu.memory_space<semaphore_mem>>
    %dma_start3A_37 = tpu.memref_squeeze %dma_start3A_36 : memref<1x!tpu.dma_semaphore, #tpu.memory_space<semaphore_mem>> -> memref<!tpu.dma_semaphore, #tpu.memory_space<semaphore_mem>>
    tpu.enqueue_indirect_dma source(%dma_start3A_35 : memref<1000000x64xf32, #tpu.memory_space<hbm>>) target(%dma_start3A_30 : memref<104x64xf32, #tpu.memory_space<vmem>>) offsets(%dma_start3A_32 : memref<104xi32, #tpu.memory_space<vmem>>) semaphore(%dma_start3A_37 : memref<!tpu.dma_semaphore, #tpu.memory_space<semaphore_mem>>)
    %dma_start3A_38 = arith.constant 0 : i32
    %dma_start3A_39 = arith.constant 0 : i32
    %dma_start3A_40 = arith.constant 104 : i32
    %dma_start3A_41 = arith.constant 0 : i32
    %dma_start3A_42 = tpu.memref_slice %arg8[%dma_start3A_38, %dma_start3A_40, %dma_start3A_41] : memref<4x200x64xf32, #tpu.memory_space<vmem>> -> memref<1x96x64xf32, #tpu.memory_space<vmem>>
    %dma_start3A_43 = tpu.memref_squeeze %dma_start3A_42 : memref<1x96x64xf32, #tpu.memory_space<vmem>> -> memref<96x64xf32, #tpu.memory_space<vmem>>
    %dma_start3A_44 = arith.constant 104 : i32
    %dma_start3A_45 = tpu.memref_slice %arg7[%dma_start3A_44] : memref<26624xi32, #tpu.memory_space<vmem>> -> memref<96xi32, #tpu.memory_space<vmem>>
    %dma_start3A_46 = arith.constant 0 : i32
    %dma_start3A_47 = arith.constant 0 : i32
    %dma_start3A_48 = tpu.memref_slice %arg3[%dma_start3A_46, %dma_start3A_47] : memref<1000000x64xf32, #tpu.memory_space<hbm>> -> memref<1000000x64xf32, #tpu.memory_space<hbm>>
    %dma_start3A_49 = tpu.memref_slice %arg11[%dma_start3A_39] : memref<4x!tpu.dma_semaphore, #tpu.memory_space<semaphore_mem>> -> memref<1x!tpu.dma_semaphore, #tpu.memory_space<semaphore_mem>>
    %dma_start3A_50 = tpu.memref_squeeze %dma_start3A_49 : memref<1x!tpu.dma_semaphore, #tpu.memory_space<semaphore_mem>> -> memref<!tpu.dma_semaphore, #tpu.memory_space<semaphore_mem>>
    tpu.enqueue_indirect_dma source(%dma_start3A_48 : memref<1000000x64xf32, #tpu.memory_space<hbm>>) target(%dma_start3A_43 : memref<96x64xf32, #tpu.memory_space<vmem>>) offsets(%dma_start3A_45 : memref<96xi32, #tpu.memory_space<vmem>>) semaphore(%dma_start3A_50 : memref<!tpu.dma_semaphore, #tpu.memory_space<semaphore_mem>>)
    %dma_start3A_51 = arith.constant 1 : i32
    %dma_start3A_52 = arith.constant 1 : i32
    %dma_start3A_53 = arith.constant 0 : i32
    %dma_start3A_54 = arith.constant 0 : i32
    %dma_start3A_55 = tpu.memref_slice %arg8[%dma_start3A_51, %dma_start3A_53, %dma_start3A_54] : memref<4x200x64xf32, #tpu.memory_space<vmem>> -> memref<1x104x64xf32, #tpu.memory_space<vmem>>
    %dma_start3A_56 = tpu.memref_squeeze %dma_start3A_55 : memref<1x104x64xf32, #tpu.memory_space<vmem>> -> memref<104x64xf32, #tpu.memory_space<vmem>>
    %dma_start3A_57 = arith.constant 208 : i32
    %dma_start3A_58 = tpu.memref_slice %arg7[%dma_start3A_57] : memref<26624xi32, #tpu.memory_space<vmem>> -> memref<104xi32, #tpu.memory_space<vmem>>
    %dma_start3A_59 = arith.constant 0 : i32
    %dma_start3A_60 = arith.constant 0 : i32
    %dma_start3A_61 = tpu.memref_slice %arg3[%dma_start3A_59, %dma_start3A_60] : memref<1000000x64xf32, #tpu.memory_space<hbm>> -> memref<1000000x64xf32, #tpu.memory_space<hbm>>
    %dma_start3A_62 = tpu.memref_slice %arg11[%dma_start3A_52] : memref<4x!tpu.dma_semaphore, #tpu.memory_space<semaphore_mem>> -> memref<1x!tpu.dma_semaphore, #tpu.memory_space<semaphore_mem>>
    %dma_start3A_63 = tpu.memref_squeeze %dma_start3A_62 : memref<1x!tpu.dma_semaphore, #tpu.memory_space<semaphore_mem>> -> memref<!tpu.dma_semaphore, #tpu.memory_space<semaphore_mem>>
    tpu.enqueue_indirect_dma source(%dma_start3A_61 : memref<1000000x64xf32, #tpu.memory_space<hbm>>) target(%dma_start3A_56 : memref<104x64xf32, #tpu.memory_space<vmem>>) offsets(%dma_start3A_58 : memref<104xi32, #tpu.memory_space<vmem>>) semaphore(%dma_start3A_63 : memref<!tpu.dma_semaphore, #tpu.memory_space<semaphore_mem>>)
    %dma_start3A_64 = arith.constant 1 : i32
    %dma_start3A_65 = arith.constant 1 : i32
    %dma_start3A_66 = arith.constant 104 : i32
    %dma_start3A_67 = arith.constant 0 : i32
    %dma_start3A_68 = tpu.memref_slice %arg8[%dma_start3A_64, %dma_start3A_66, %dma_start3A_67] : memref<4x200x64xf32, #tpu.memory_space<vmem>> -> memref<1x96x64xf32, #tpu.memory_space<vmem>>
    %dma_start3A_69 = tpu.memref_squeeze %dma_start3A_68 : memref<1x96x64xf32, #tpu.memory_space<vmem>> -> memref<96x64xf32, #tpu.memory_space<vmem>>
    %dma_start3A_70 = arith.constant 312 : i32
    %dma_start3A_71 = tpu.memref_slice %arg7[%dma_start3A_70] : memref<26624xi32, #tpu.memory_space<vmem>> -> memref<96xi32, #tpu.memory_space<vmem>>
    %dma_start3A_72 = arith.constant 0 : i32
    %dma_start3A_73 = arith.constant 0 : i32
    %dma_start3A_74 = tpu.memref_slice %arg3[%dma_start3A_72, %dma_start3A_73] : memref<1000000x64xf32, #tpu.memory_space<hbm>> -> memref<1000000x64xf32, #tpu.memory_space<hbm>>
    %dma_start3A_75 = tpu.memref_slice %arg11[%dma_start3A_65] : memref<4x!tpu.dma_semaphore, #tpu.memory_space<semaphore_mem>> -> memref<1x!tpu.dma_semaphore, #tpu.memory_space<semaphore_mem>>
    %dma_start3A_76 = tpu.memref_squeeze %dma_start3A_75 : memref<1x!tpu.dma_semaphore, #tpu.memory_space<semaphore_mem>> -> memref<!tpu.dma_semaphore, #tpu.memory_space<semaphore_mem>>
    tpu.enqueue_indirect_dma source(%dma_start3A_74 : memref<1000000x64xf32, #tpu.memory_space<hbm>>) target(%dma_start3A_69 : memref<96x64xf32, #tpu.memory_space<vmem>>) offsets(%dma_start3A_71 : memref<96xi32, #tpu.memory_space<vmem>>) semaphore(%dma_start3A_76 : memref<!tpu.dma_semaphore, #tpu.memory_space<semaphore_mem>>)
    %scan3A_77 = arith.constant 0 : i32
    %scan3A_78 = arith.constant 32 : i32
    %scan3A_79 = arith.addi %scan3A_77, %scan3A_78 : i32
    %scan3A_80 = arith.constant 1 : i32
    scf.for %scan3A_126 = %scan3A_77 to %scan3A_79 step %scan3A_80  : i32 {
      %mul3A_127 = arith.constant 4 : i32
      %mul3A_128 = arith.muli %scan3A_126, %mul3A_127 : i32
      %add3A_129 = arith.constant 0 : i32
      %add3A_130 = arith.addi %mul3A_128, %add3A_129 : i32
      %mul3A_131 = arith.constant 208 : i32
      %mul3A_132 = arith.muli %add3A_130, %mul3A_131 : i32
      %add3A_133 = arith.constant 104 : i32
      %add3A_134 = arith.addi %mul3A_132, %add3A_133 : i32
      %dma_wait3A_135 = arith.constant 0 : i32
      %dma_wait3A_136 = arith.constant 0 : i32
      %dma_wait3A_137 = arith.constant 0 : i32
      %dma_wait3A_138 = arith.constant 0 : i32
      %dma_wait3A_139 = tpu.memref_slice %arg8[%dma_wait3A_135, %dma_wait3A_137, %dma_wait3A_138] : memref<4x200x64xf32, #tpu.memory_space<vmem>> -> memref<1x104x64xf32, #tpu.memory_space<vmem>>
      %dma_wait3A_140 = tpu.memref_squeeze %dma_wait3A_139 : memref<1x104x64xf32, #tpu.memory_space<vmem>> -> memref<104x64xf32, #tpu.memory_space<vmem>>
      %dma_wait3A_141 = tpu.memref_slice %arg7[%mul3A_132] : memref<26624xi32, #tpu.memory_space<vmem>> -> memref<104xi32, #tpu.memory_space<vmem>>
      %dma_wait3A_142 = arith.constant 0 : i32
      %dma_wait3A_143 = arith.constant 0 : i32
      %dma_wait3A_144 = tpu.memref_slice %arg3[%dma_wait3A_142, %dma_wait3A_143] : memref<1000000x64xf32, #tpu.memory_space<hbm>> -> memref<1000000x64xf32, #tpu.memory_space<hbm>>
      %dma_wait3A_145 = tpu.memref_slice %arg11[%dma_wait3A_136] : memref<4x!tpu.dma_semaphore, #tpu.memory_space<semaphore_mem>> -> memref<1x!tpu.dma_semaphore, #tpu.memory_space<semaphore_mem>>
      %dma_wait3A_146 = tpu.memref_squeeze %dma_wait3A_145 : memref<1x!tpu.dma_semaphore, #tpu.memory_space<semaphore_mem>> -> memref<!tpu.dma_semaphore, #tpu.memory_space<semaphore_mem>>
      tpu.wait_indirect_dma semaphore(%dma_wait3A_146 : memref<!tpu.dma_semaphore, #tpu.memory_space<semaphore_mem>>) src(%dma_wait3A_144 : memref<1000000x64xf32, #tpu.memory_space<hbm>>) dst(%dma_wait3A_140 : memref<104x64xf32, #tpu.memory_space<vmem>>)
      %dma_wait3A_147 = arith.constant 0 : i32
      %dma_wait3A_148 = arith.constant 0 : i32
      %dma_wait3A_149 = arith.constant 104 : i32
      %dma_wait3A_150 = arith.constant 0 : i32
      %dma_wait3A_151 = tpu.memref_slice %arg8[%dma_wait3A_147, %dma_wait3A_149, %dma_wait3A_150] : memref<4x200x64xf32, #tpu.memory_space<vmem>> -> memref<1x96x64xf32, #tpu.memory_space<vmem>>
      %dma_wait3A_152 = tpu.memref_squeeze %dma_wait3A_151 : memref<1x96x64xf32, #tpu.memory_space<vmem>> -> memref<96x64xf32, #tpu.memory_space<vmem>>
      %dma_wait3A_153 = tpu.memref_slice %arg7[%add3A_134] : memref<26624xi32, #tpu.memory_space<vmem>> -> memref<96xi32, #tpu.memory_space<vmem>>
      %dma_wait3A_154 = arith.constant 0 : i32
      %dma_wait3A_155 = arith.constant 0 : i32
      %dma_wait3A_156 = tpu.memref_slice %arg3[%dma_wait3A_154, %dma_wait3A_155] : memref<1000000x64xf32, #tpu.memory_space<hbm>> -> memref<1000000x64xf32, #tpu.memory_space<hbm>>
      %dma_wait3A_157 = tpu.memref_slice %arg11[%dma_wait3A_148] : memref<4x!tpu.dma_semaphore, #tpu.memory_space<semaphore_mem>> -> memref<1x!tpu.dma_semaphore, #tpu.memory_space<semaphore_mem>>
      %dma_wait3A_158 = tpu.memref_squeeze %dma_wait3A_157 : memref<1x!tpu.dma_semaphore, #tpu.memory_space<semaphore_mem>> -> memref<!tpu.dma_semaphore, #tpu.memory_space<semaphore_mem>>
      tpu.wait_indirect_dma semaphore(%dma_wait3A_158 : memref<!tpu.dma_semaphore, #tpu.memory_space<semaphore_mem>>) src(%dma_wait3A_156 : memref<1000000x64xf32, #tpu.memory_space<hbm>>) dst(%dma_wait3A_152 : memref<96x64xf32, #tpu.memory_space<vmem>>)
      %scan3A_159 = arith.constant 0 : i32
      %scan3A_160 = arith.constant 200 : i32
      %scan3A_161 = arith.addi %scan3A_159, %scan3A_160 : i32
      %scan3A_162 = arith.constant 1 : i32
      scf.for %scan3A_422 = %scan3A_159 to %scan3A_161 step %scan3A_162  : i32 {
        %mul3A_423 = arith.constant 64 : i32
        %mul3A_424 = arith.muli %scan3A_422, %mul3A_423 : i32
        %add3A_425 = arith.constant 0 : i32
        %add3A_426 = arith.addi %mul3A_424, %add3A_425 : i32
        %get3A = arith.index_cast %add3A_426 : i32 to index
        %get3A_427 = tpu.vector_load %arg9[%get3A] {strides = array<i32>} : memref<12800xf32, #tpu.memory_space<vmem>>, vector<16xf32>,
        %swap3A = arith.constant 0 : i32
        %swap3A_428 = arith.index_cast %swap3A : i32 to index
        %swap3A_429 = arith.index_cast %scan3A_422 : i32 to index
        %swap3A_430 = arith.constant 0 : index
        %swap3A_431 = tpu.vector_load %arg8[%swap3A_428, %swap3A_429, %swap3A_430] {strides = array<i32>} : memref<4x200x64xf32, #tpu.memory_space<vmem>>, vector<16xf32>,
        tpu.vector_store %arg8[%swap3A_428, %swap3A_429, %swap3A_430], %get3A_427 {add = true, strides = array<i32>} : memref<4x200x64xf32, #tpu.memory_space<vmem>>, vector<16xf32>,
        %mul3A_432 = arith.constant 64 : i32
        %mul3A_433 = arith.muli %scan3A_422, %mul3A_432 : i32
        %add3A_434 = arith.constant 16 : i32
        %add3A_435 = arith.addi %mul3A_433, %add3A_434 : i32
        %get3A_436 = arith.index_cast %add3A_435 : i32 to index
        %get3A_437 = tpu.vector_load %arg9[%get3A_436] {strides = array<i32>} : memref<12800xf32, #tpu.memory_space<vmem>>, vector<16xf32>,
        %swap3A_438 = arith.constant 0 : i32
        %swap3A_439 = arith.index_cast %swap3A_438 : i32 to index
        %swap3A_440 = arith.index_cast %scan3A_422 : i32 to index
        %swap3A_441 = arith.constant 16 : index
        %swap3A_442 = tpu.vector_load %arg8[%swap3A_439, %swap3A_440, %swap3A_441] {strides = array<i32>} : memref<4x200x64xf32, #tpu.memory_space<vmem>>, vector<16xf32>,
        tpu.vector_store %arg8[%swap3A_439, %swap3A_440, %swap3A_441], %get3A_437 {add = true, strides = array<i32>} : memref<4x200x64xf32, #tpu.memory_space<vmem>>, vector<16xf32>,
        %mul3A_443 = arith.constant 64 : i32
        %mul3A_444 = arith.muli %scan3A_422, %mul3A_443 : i32
        %add3A_445 = arith.constant 32 : i32
        %add3A_446 = arith.addi %mul3A_444, %add3A_445 : i32
        %get3A_447 = arith.index_cast %add3A_446 : i32 to index
        %get3A_448 = tpu.vector_load %arg9[%get3A_447] {strides = array<i32>} : memref<12800xf32, #tpu.memory_space<vmem>>, vector<16xf32>,
        %swap3A_449 = arith.constant 0 : i32
        %swap3A_450 = arith.index_cast %swap3A_449 : i32 to index
        %swap3A_451 = arith.index_cast %scan3A_422 : i32 to index
        %swap3A_452 = arith.constant 32 : index
        %swap3A_453 = tpu.vector_load %arg8[%swap3A_450, %swap3A_451, %swap3A_452] {strides = array<i32>} : memref<4x200x64xf32, #tpu.memory_space<vmem>>, vector<16xf32>,
        tpu.vector_store %arg8[%swap3A_450, %swap3A_451, %swap3A_452], %get3A_448 {add = true, strides = array<i32>} : memref<4x200x64xf32, #tpu.memory_space<vmem>>, vector<16xf32>,
        %mul3A_454 = arith.constant 64 : i32
        %mul3A_455 = arith.muli %scan3A_422, %mul3A_454 : i32
        %add3A_456 = arith.constant 48 : i32
        %add3A_457 = arith.addi %mul3A_455, %add3A_456 : i32
        %get3A_458 = arith.index_cast %add3A_457 : i32 to index
        %get3A_459 = tpu.vector_load %arg9[%get3A_458] {strides = array<i32>} : memref<12800xf32, #tpu.memory_space<vmem>>, vector<16xf32>,
        %swap3A_460 = arith.constant 0 : i32
        %swap3A_461 = arith.index_cast %swap3A_460 : i32 to index
        %swap3A_462 = arith.index_cast %scan3A_422 : i32 to index
        %swap3A_463 = arith.constant 48 : index
        %swap3A_464 = tpu.vector_load %arg8[%swap3A_461, %swap3A_462, %swap3A_463] {strides = array<i32>} : memref<4x200x64xf32, #tpu.memory_space<vmem>>, vector<16xf32>,
        tpu.vector_store %arg8[%swap3A_461, %swap3A_462, %swap3A_463], %get3A_459 {add = true, strides = array<i32>} : memref<4x200x64xf32, #tpu.memory_space<vmem>>, vector<16xf32>,
      }
      %scan3A_163 = arith.constant 200 : i32
      %add3A_164 = arith.addi %mul3A_2, %add3A_130 : i32
      %dma_start3A_165 = arith.constant 0 : i32
      %dma_start3A_166 = arith.constant 0 : i32
      %dma_start3A_167 = arith.constant 0 : i32
      %dma_start3A_168 = arith.constant 0 : i32
      %dma_start3A_169 = tpu.memref_slice %arg8[%dma_start3A_165, %dma_start3A_167, %dma_start3A_168] : memref<4x200x64xf32, #tpu.memory_space<vmem>> -> memref<1x200x64xf32, #tpu.memory_space<vmem>>
      %dma_start3A_170 = tpu.memref_squeeze %dma_start3A_169 : memref<1x200x64xf32, #tpu.memory_space<vmem>> -> memref<200x64xf32, #tpu.memory_space<vmem>>
      %dma_start3A_171 = arith.constant 0 : i32
      %dma_start3A_172 = arith.constant 0 : i32
      %dma_start3A_173 = tpu.memref_slice %arg5[%add3A_164, %dma_start3A_171, %dma_start3A_172] : memref<4096x200x64xf32, #tpu.memory_space<hbm>> -> memref<1x200x64xf32, #tpu.memory_space<hbm>>
      %dma_start3A_174 = tpu.memref_squeeze %dma_start3A_173 : memref<1x200x64xf32, #tpu.memory_space<hbm>> -> memref<200x64xf32, #tpu.memory_space<hbm>>
      %dma_start3A_175 = tpu.memref_slice %arg12[%dma_start3A_166] : memref<4x!tpu.dma_semaphore, #tpu.memory_space<semaphore_mem>> -> memref<1x!tpu.dma_semaphore, #tpu.memory_space<semaphore_mem>>
      %dma_start3A_176 = tpu.memref_squeeze %dma_start3A_175 : memref<1x!tpu.dma_semaphore, #tpu.memory_space<semaphore_mem>> -> memref<!tpu.dma_semaphore, #tpu.memory_space<semaphore_mem>>
      %dma_start3A_177 = arith.constant 0 : i32
      %dma_start3A_178 = arith.constant 0 : i32
      %dma_start3A_179 = tpu.memref_slice %arg5[%add3A_164, %dma_start3A_177, %dma_start3A_178] : memref<4096x200x64xf32, #tpu.memory_space<hbm>> -> memref<1x200x64xf32, #tpu.memory_space<hbm>>
      %dma_start3A_180 = tpu.memref_squeeze %dma_start3A_179 : memref<1x200x64xf32, #tpu.memory_space<hbm>> -> memref<200x64xf32, #tpu.memory_space<hbm>>
      %dma_start3A_181 = arith.constant 0 : i32
      %dma_start3A_182 = arith.constant 0 : i32
      %dma_start3A_183 = tpu.memref_slice %arg8[%dma_start3A_165, %dma_start3A_181, %dma_start3A_182] : memref<4x200x64xf32, #tpu.memory_space<vmem>> -> memref<1x200x64xf32, #tpu.memory_space<vmem>>
      %dma_start3A_184 = tpu.memref_squeeze %dma_start3A_183 : memref<1x200x64xf32, #tpu.memory_space<vmem>> -> memref<200x64xf32, #tpu.memory_space<vmem>>
      tpu.enqueue_dma source(%dma_start3A_184 : memref<200x64xf32, #tpu.memory_space<vmem>>) target(%dma_start3A_180 : memref<200x64xf32, #tpu.memory_space<hbm>>) target_semaphore(%dma_start3A_176 : memref<!tpu.dma_semaphore, #tpu.memory_space<semaphore_mem>>)
      %ge3A = arith.constant 2 : i32
      %ge3A_185 = arith.cmpi sge, %add3A_130, %ge3A : i32
      %add3A_186 = arith.constant 2 : i32
      %add3A_187 = arith.addi %add3A_130, %add3A_186 : i32
      %lt3A = arith.constant 128 : i32
      %lt3A_188 = arith.cmpi slt, %add3A_187, %lt3A : i32
      %and3A = arith.andi %ge3A_185, %lt3A_188 : i1
      %convert_element_type3A = arith.extui %and3A : i1 to i32
      %cond3A = arith.constant 0 : i32
      %cond3A_189 = arith.cmpi ne, %convert_element_type3A, %cond3A : i32
      scf.if %cond3A_189 {
        %sub3A = arith.constant 2 : i32
        %sub3A_422 = arith.subi %add3A_130, %sub3A : i32
        %add3A_423 = arith.addi %mul3A_2, %sub3A_422 : i32
        %dma_wait3A_424 = arith.constant 2 : i32
        %dma_wait3A_425 = arith.constant 2 : i32
        %dma_wait3A_426 = arith.constant 0 : i32
        %dma_wait3A_427 = arith.constant 0 : i32
        %dma_wait3A_428 = tpu.memref_slice %arg8[%dma_wait3A_424, %dma_wait3A_426, %dma_wait3A_427] : memref<4x200x64xf32, #tpu.memory_space<vmem>> -> memref<1x200x64xf32, #tpu.memory_space<vmem>>
        %dma_wait3A_429 = tpu.memref_squeeze %dma_wait3A_428 : memref<1x200x64xf32, #tpu.memory_space<vmem>> -> memref<200x64xf32, #tpu.memory_space<vmem>>
        %dma_wait3A_430 = arith.constant 0 : i32
        %dma_wait3A_431 = arith.constant 0 : i32
        %dma_wait3A_432 = tpu.memref_slice %arg5[%add3A_423, %dma_wait3A_430, %dma_wait3A_431] : memref<4096x200x64xf32, #tpu.memory_space<hbm>> -> memref<1x200x64xf32, #tpu.memory_space<hbm>>
        %dma_wait3A_433 = tpu.memref_squeeze %dma_wait3A_432 : memref<1x200x64xf32, #tpu.memory_space<hbm>> -> memref<200x64xf32, #tpu.memory_space<hbm>>
        %dma_wait3A_434 = tpu.memref_slice %arg12[%dma_wait3A_425] : memref<4x!tpu.dma_semaphore, #tpu.memory_space<semaphore_mem>> -> memref<1x!tpu.dma_semaphore, #tpu.memory_space<semaphore_mem>>
        %dma_wait3A_435 = tpu.memref_squeeze %dma_wait3A_434 : memref<1x!tpu.dma_semaphore, #tpu.memory_space<semaphore_mem>> -> memref<!tpu.dma_semaphore, #tpu.memory_space<semaphore_mem>>
        %dma_wait3A_436 = arith.constant 0 : i32
        %dma_wait3A_437 = arith.constant 0 : i32
        %dma_wait3A_438 = tpu.memref_slice %arg5[%add3A_423, %dma_wait3A_436, %dma_wait3A_437] : memref<4096x200x64xf32, #tpu.memory_space<hbm>> -> memref<1x200x64xf32, #tpu.memory_space<hbm>>
        %dma_wait3A_439 = tpu.memref_squeeze %dma_wait3A_438 : memref<1x200x64xf32, #tpu.memory_space<hbm>> -> memref<200x64xf32, #tpu.memory_space<hbm>>
        %dma_wait3A_440 = arith.constant 0 : i32
        %dma_wait3A_441 = arith.constant 0 : i32
        %dma_wait3A_442 = tpu.memref_slice %arg8[%dma_wait3A_424, %dma_wait3A_440, %dma_wait3A_441] : memref<4x200x64xf32, #tpu.memory_space<vmem>> -> memref<1x200x64xf32, #tpu.memory_space<vmem>>
        %dma_wait3A_443 = tpu.memref_squeeze %dma_wait3A_442 : memref<1x200x64xf32, #tpu.memory_space<vmem>> -> memref<200x64xf32, #tpu.memory_space<vmem>>
        tpu.wait_dma2 semaphore(%dma_wait3A_435 : memref<!tpu.dma_semaphore, #tpu.memory_space<semaphore_mem>>) src(%dma_wait3A_443 : memref<200x64xf32, #tpu.memory_space<vmem>>) dst(%dma_wait3A_439 : memref<200x64xf32, #tpu.memory_space<hbm>>)
      } else {
      }
      %add3A_190 = arith.constant 2 : i32
      %add3A_191 = arith.addi %add3A_130, %add3A_190 : i32
      %lt3A_192 = arith.constant 128 : i32
      %lt3A_193 = arith.cmpi slt, %add3A_191, %lt3A_192 : i32
      %convert_element_type3A_194 = arith.extui %lt3A_193 : i1 to i32
      %cond3A_195 = arith.constant 0 : i32
      %cond3A_196 = arith.cmpi ne, %convert_element_type3A_194, %cond3A_195 : i32
      scf.if %cond3A_196 {
        %add3A_422 = arith.constant 2 : i32
        %add3A_423 = arith.addi %add3A_130, %add3A_422 : i32
        %mul3A_424 = arith.constant 208 : i32
        %mul3A_425 = arith.muli %add3A_423, %mul3A_424 : i32
        %add3A_426 = arith.constant 104 : i32
        %add3A_427 = arith.addi %mul3A_425, %add3A_426 : i32
        %dma_start3A_428 = arith.constant 2 : i32
        %dma_start3A_429 = arith.constant 2 : i32
        %dma_start3A_430 = arith.constant 0 : i32
        %dma_start3A_431 = arith.constant 0 : i32
        %dma_start3A_432 = tpu.memref_slice %arg8[%dma_start3A_428, %dma_start3A_430, %dma_start3A_431] : memref<4x200x64xf32, #tpu.memory_space<vmem>> -> memref<1x104x64xf32, #tpu.memory_space<vmem>>
        %dma_start3A_433 = tpu.memref_squeeze %dma_start3A_432 : memref<1x104x64xf32, #tpu.memory_space<vmem>> -> memref<104x64xf32, #tpu.memory_space<vmem>>
        %dma_start3A_434 = tpu.memref_slice %arg7[%mul3A_425] : memref<26624xi32, #tpu.memory_space<vmem>> -> memref<104xi32, #tpu.memory_space<vmem>>
        %dma_start3A_435 = arith.constant 0 : i32
        %dma_start3A_436 = arith.constant 0 : i32
        %dma_start3A_437 = tpu.memref_slice %arg3[%dma_start3A_435, %dma_start3A_436] : memref<1000000x64xf32, #tpu.memory_space<hbm>> -> memref<1000000x64xf32, #tpu.memory_space<hbm>>
        %dma_start3A_438 = tpu.memref_slice %arg11[%dma_start3A_429] : memref<4x!tpu.dma_semaphore, #tpu.memory_space<semaphore_mem>> -> memref<1x!tpu.dma_semaphore, #tpu.memory_space<semaphore_mem>>
        %dma_start3A_439 = tpu.memref_squeeze %dma_start3A_438 : memref<1x!tpu.dma_semaphore, #tpu.memory_space<semaphore_mem>> -> memref<!tpu.dma_semaphore, #tpu.memory_space<semaphore_mem>>
        tpu.enqueue_indirect_dma source(%dma_start3A_437 : memref<1000000x64xf32, #tpu.memory_space<hbm>>) target(%dma_start3A_433 : memref<104x64xf32, #tpu.memory_space<vmem>>) offsets(%dma_start3A_434 : memref<104xi32, #tpu.memory_space<vmem>>) semaphore(%dma_start3A_439 : memref<!tpu.dma_semaphore, #tpu.memory_space<semaphore_mem>>)
        %dma_start3A_440 = arith.constant 2 : i32
        %dma_start3A_441 = arith.constant 2 : i32
        %dma_start3A_442 = arith.constant 104 : i32
        %dma_start3A_443 = arith.constant 0 : i32
        %dma_start3A_444 = tpu.memref_slice %arg8[%dma_start3A_440, %dma_start3A_442, %dma_start3A_443] : memref<4x200x64xf32, #tpu.memory_space<vmem>> -> memref<1x96x64xf32, #tpu.memory_space<vmem>>
        %dma_start3A_445 = tpu.memref_squeeze %dma_start3A_444 : memref<1x96x64xf32, #tpu.memory_space<vmem>> -> memref<96x64xf32, #tpu.memory_space<vmem>>
        %dma_start3A_446 = tpu.memref_slice %arg7[%add3A_427] : memref<26624xi32, #tpu.memory_space<vmem>> -> memref<96xi32, #tpu.memory_space<vmem>>
        %dma_start3A_447 = arith.constant 0 : i32
        %dma_start3A_448 = arith.constant 0 : i32
        %dma_start3A_449 = tpu.memref_slice %arg3[%dma_start3A_447, %dma_start3A_448] : memref<1000000x64xf32, #tpu.memory_space<hbm>> -> memref<1000000x64xf32, #tpu.memory_space<hbm>>
        %dma_start3A_450 = tpu.memref_slice %arg11[%dma_start3A_441] : memref<4x!tpu.dma_semaphore, #tpu.memory_space<semaphore_mem>> -> memref<1x!tpu.dma_semaphore, #tpu.memory_space<semaphore_mem>>
        %dma_start3A_451 = tpu.memref_squeeze %dma_start3A_450 : memref<1x!tpu.dma_semaphore, #tpu.memory_space<semaphore_mem>> -> memref<!tpu.dma_semaphore, #tpu.memory_space<semaphore_mem>>
        tpu.enqueue_indirect_dma source(%dma_start3A_449 : memref<1000000x64xf32, #tpu.memory_space<hbm>>) target(%dma_start3A_445 : memref<96x64xf32, #tpu.memory_space<vmem>>) offsets(%dma_start3A_446 : memref<96xi32, #tpu.memory_space<vmem>>) semaphore(%dma_start3A_451 : memref<!tpu.dma_semaphore, #tpu.memory_space<semaphore_mem>>)
      } else {
      }
      %mul3A_197 = arith.constant 4 : i32
      %mul3A_198 = arith.muli %scan3A_126, %mul3A_197 : i32
      %add3A_199 = arith.constant 1 : i32
      %add3A_200 = arith.addi %mul3A_198, %add3A_199 : i32
      %mul3A_201 = arith.constant 208 : i32
      %mul3A_202 = arith.muli %add3A_200, %mul3A_201 : i32
      %add3A_203 = arith.constant 104 : i32
      %add3A_204 = arith.addi %mul3A_202, %add3A_203 : i32
      %dma_wait3A_205 = arith.constant 1 : i32
      %dma_wait3A_206 = arith.constant 1 : i32
      %dma_wait3A_207 = arith.constant 0 : i32
      %dma_wait3A_208 = arith.constant 0 : i32
      %dma_wait3A_209 = tpu.memref_slice %arg8[%dma_wait3A_205, %dma_wait3A_207, %dma_wait3A_208] : memref<4x200x64xf32, #tpu.memory_space<vmem>> -> memref<1x104x64xf32, #tpu.memory_space<vmem>>
      %dma_wait3A_210 = tpu.memref_squeeze %dma_wait3A_209 : memref<1x104x64xf32, #tpu.memory_space<vmem>> -> memref<104x64xf32, #tpu.memory_space<vmem>>
      %dma_wait3A_211 = tpu.memref_slice %arg7[%mul3A_202] : memref<26624xi32, #tpu.memory_space<vmem>> -> memref<104xi32, #tpu.memory_space<vmem>>
      %dma_wait3A_212 = arith.constant 0 : i32
      %dma_wait3A_213 = arith.constant 0 : i32
      %dma_wait3A_214 = tpu.memref_slice %arg3[%dma_wait3A_212, %dma_wait3A_213] : memref<1000000x64xf32, #tpu.memory_space<hbm>> -> memref<1000000x64xf32, #tpu.memory_space<hbm>>
      %dma_wait3A_215 = tpu.memref_slice %arg11[%dma_wait3A_206] : memref<4x!tpu.dma_semaphore, #tpu.memory_space<semaphore_mem>> -> memref<1x!tpu.dma_semaphore, #tpu.memory_space<semaphore_mem>>
      %dma_wait3A_216 = tpu.memref_squeeze %dma_wait3A_215 : memref<1x!tpu.dma_semaphore, #tpu.memory_space<semaphore_mem>> -> memref<!tpu.dma_semaphore, #tpu.memory_space<semaphore_mem>>
      tpu.wait_indirect_dma semaphore(%dma_wait3A_216 : memref<!tpu.dma_semaphore, #tpu.memory_space<semaphore_mem>>) src(%dma_wait3A_214 : memref<1000000x64xf32, #tpu.memory_space<hbm>>) dst(%dma_wait3A_210 : memref<104x64xf32, #tpu.memory_space<vmem>>)
      %dma_wait3A_217 = arith.constant 1 : i32
      %dma_wait3A_218 = arith.constant 1 : i32
      %dma_wait3A_219 = arith.constant 104 : i32
      %dma_wait3A_220 = arith.constant 0 : i32
      %dma_wait3A_221 = tpu.memref_slice %arg8[%dma_wait3A_217, %dma_wait3A_219, %dma_wait3A_220] : memref<4x200x64xf32, #tpu.memory_space<vmem>> -> memref<1x96x64xf32, #tpu.memory_space<vmem>>
      %dma_wait3A_222 = tpu.memref_squeeze %dma_wait3A_221 : memref<1x96x64xf32, #tpu.memory_space<vmem>> -> memref<96x64xf32, #tpu.memory_space<vmem>>
      %dma_wait3A_223 = tpu.memref_slice %arg7[%add3A_204] : memref<26624xi32, #tpu.memory_space<vmem>> -> memref<96xi32, #tpu.memory_space<vmem>>
      %dma_wait3A_224 = arith.constant 0 : i32
      %dma_wait3A_225 = arith.constant 0 : i32
      %dma_wait3A_226 = tpu.memref_slice %arg3[%dma_wait3A_224, %dma_wait3A_225] : memref<1000000x64xf32, #tpu.memory_space<hbm>> -> memref<1000000x64xf32, #tpu.memory_space<hbm>>
      %dma_wait3A_227 = tpu.memref_slice %arg11[%dma_wait3A_218] : memref<4x!tpu.dma_semaphore, #tpu.memory_space<semaphore_mem>> -> memref<1x!tpu.dma_semaphore, #tpu.memory_space<semaphore_mem>>
      %dma_wait3A_228 = tpu.memref_squeeze %dma_wait3A_227 : memref<1x!tpu.dma_semaphore, #tpu.memory_space<semaphore_mem>> -> memref<!tpu.dma_semaphore, #tpu.memory_space<semaphore_mem>>
      tpu.wait_indirect_dma semaphore(%dma_wait3A_228 : memref<!tpu.dma_semaphore, #tpu.memory_space<semaphore_mem>>) src(%dma_wait3A_226 : memref<1000000x64xf32, #tpu.memory_space<hbm>>) dst(%dma_wait3A_222 : memref<96x64xf32, #tpu.memory_space<vmem>>)
      %scan3A_229 = arith.constant 0 : i32
      %scan3A_230 = arith.constant 200 : i32
      %scan3A_231 = arith.addi %scan3A_229, %scan3A_230 : i32
      %scan3A_232 = arith.constant 1 : i32
      scf.for %scan3A_422 = %scan3A_229 to %scan3A_231 step %scan3A_232  : i32 {
        %mul3A_423 = arith.constant 64 : i32
        %mul3A_424 = arith.muli %scan3A_422, %mul3A_423 : i32
        %add3A_425 = arith.constant 0 : i32
        %add3A_426 = arith.addi %mul3A_424, %add3A_425 : i32
        %get3A = arith.index_cast %add3A_426 : i32 to index
        %get3A_427 = tpu.vector_load %arg9[%get3A] {strides = array<i32>} : memref<12800xf32, #tpu.memory_space<vmem>>, vector<16xf32>,
        %swap3A = arith.constant 1 : i32
        %swap3A_428 = arith.index_cast %swap3A : i32 to index
        %swap3A_429 = arith.index_cast %scan3A_422 : i32 to index
        %swap3A_430 = arith.constant 0 : index
        %swap3A_431 = tpu.vector_load %arg8[%swap3A_428, %swap3A_429, %swap3A_430] {strides = array<i32>} : memref<4x200x64xf32, #tpu.memory_space<vmem>>, vector<16xf32>,
        tpu.vector_store %arg8[%swap3A_428, %swap3A_429, %swap3A_430], %get3A_427 {add = true, strides = array<i32>} : memref<4x200x64xf32, #tpu.memory_space<vmem>>, vector<16xf32>,
        %mul3A_432 = arith.constant 64 : i32
        %mul3A_433 = arith.muli %scan3A_422, %mul3A_432 : i32
        %add3A_434 = arith.constant 16 : i32
        %add3A_435 = arith.addi %mul3A_433, %add3A_434 : i32
        %get3A_436 = arith.index_cast %add3A_435 : i32 to index
        %get3A_437 = tpu.vector_load %arg9[%get3A_436] {strides = array<i32>} : memref<12800xf32, #tpu.memory_space<vmem>>, vector<16xf32>,
        %swap3A_438 = arith.constant 1 : i32
        %swap3A_439 = arith.index_cast %swap3A_438 : i32 to index
        %swap3A_440 = arith.index_cast %scan3A_422 : i32 to index
        %swap3A_441 = arith.constant 16 : index
        %swap3A_442 = tpu.vector_load %arg8[%swap3A_439, %swap3A_440, %swap3A_441] {strides = array<i32>} : memref<4x200x64xf32, #tpu.memory_space<vmem>>, vector<16xf32>,
        tpu.vector_store %arg8[%swap3A_439, %swap3A_440, %swap3A_441], %get3A_437 {add = true, strides = array<i32>} : memref<4x200x64xf32, #tpu.memory_space<vmem>>, vector<16xf32>,
        %mul3A_443 = arith.constant 64 : i32
        %mul3A_444 = arith.muli %scan3A_422, %mul3A_443 : i32
        %add3A_445 = arith.constant 32 : i32
        %add3A_446 = arith.addi %mul3A_444, %add3A_445 : i32
        %get3A_447 = arith.index_cast %add3A_446 : i32 to index
        %get3A_448 = tpu.vector_load %arg9[%get3A_447] {strides = array<i32>} : memref<12800xf32, #tpu.memory_space<vmem>>, vector<16xf32>,
        %swap3A_449 = arith.constant 1 : i32
        %swap3A_450 = arith.index_cast %swap3A_449 : i32 to index
        %swap3A_451 = arith.index_cast %scan3A_422 : i32 to index
        %swap3A_452 = arith.constant 32 : index
        %swap3A_453 = tpu.vector_load %arg8[%swap3A_450, %swap3A_451, %swap3A_452] {strides = array<i32>} : memref<4x200x64xf32, #tpu.memory_space<vmem>>, vector<16xf32>,
        tpu.vector_store %arg8[%swap3A_450, %swap3A_451, %swap3A_452], %get3A_448 {add = true, strides = array<i32>} : memref<4x200x64xf32, #tpu.memory_space<vmem>>, vector<16xf32>,
        %mul3A_454 = arith.constant 64 : i32
        %mul3A_455 = arith.muli %scan3A_422, %mul3A_454 : i32
        %add3A_456 = arith.constant 48 : i32
        %add3A_457 = arith.addi %mul3A_455, %add3A_456 : i32
        %get3A_458 = arith.index_cast %add3A_457 : i32 to index
        %get3A_459 = tpu.vector_load %arg9[%get3A_458] {strides = array<i32>} : memref<12800xf32, #tpu.memory_space<vmem>>, vector<16xf32>,
        %swap3A_460 = arith.constant 1 : i32
        %swap3A_461 = arith.index_cast %swap3A_460 : i32 to index
        %swap3A_462 = arith.index_cast %scan3A_422 : i32 to index
        %swap3A_463 = arith.constant 48 : index
        %swap3A_464 = tpu.vector_load %arg8[%swap3A_461, %swap3A_462, %swap3A_463] {strides = array<i32>} : memref<4x200x64xf32, #tpu.memory_space<vmem>>, vector<16xf32>,
        tpu.vector_store %arg8[%swap3A_461, %swap3A_462, %swap3A_463], %get3A_459 {add = true, strides = array<i32>} : memref<4x200x64xf32, #tpu.memory_space<vmem>>, vector<16xf32>,
      }
      %scan3A_233 = arith.constant 200 : i32
      %add3A_234 = arith.addi %mul3A_2, %add3A_200 : i32
      %dma_start3A_235 = arith.constant 1 : i32
      %dma_start3A_236 = arith.constant 1 : i32
      %dma_start3A_237 = arith.constant 0 : i32
      %dma_start3A_238 = arith.constant 0 : i32
      %dma_start3A_239 = tpu.memref_slice %arg8[%dma_start3A_235, %dma_start3A_237, %dma_start3A_238] : memref<4x200x64xf32, #tpu.memory_space<vmem>> -> memref<1x200x64xf32, #tpu.memory_space<vmem>>
      %dma_start3A_240 = tpu.memref_squeeze %dma_start3A_239 : memref<1x200x64xf32, #tpu.memory_space<vmem>> -> memref<200x64xf32, #tpu.memory_space<vmem>>
      %dma_start3A_241 = arith.constant 0 : i32
      %dma_start3A_242 = arith.constant 0 : i32
      %dma_start3A_243 = tpu.memref_slice %arg5[%add3A_234, %dma_start3A_241, %dma_start3A_242] : memref<4096x200x64xf32, #tpu.memory_space<hbm>> -> memref<1x200x64xf32, #tpu.memory_space<hbm>>
      %dma_start3A_244 = tpu.memref_squeeze %dma_start3A_243 : memref<1x200x64xf32, #tpu.memory_space<hbm>> -> memref<200x64xf32, #tpu.memory_space<hbm>>
      %dma_start3A_245 = tpu.memref_slice %arg12[%dma_start3A_236] : memref<4x!tpu.dma_semaphore, #tpu.memory_space<semaphore_mem>> -> memref<1x!tpu.dma_semaphore, #tpu.memory_space<semaphore_mem>>
      %dma_start3A_246 = tpu.memref_squeeze %dma_start3A_245 : memref<1x!tpu.dma_semaphore, #tpu.memory_space<semaphore_mem>> -> memref<!tpu.dma_semaphore, #tpu.memory_space<semaphore_mem>>
      %dma_start3A_247 = arith.constant 0 : i32
      %dma_start3A_248 = arith.constant 0 : i32
      %dma_start3A_249 = tpu.memref_slice %arg5[%add3A_234, %dma_start3A_247, %dma_start3A_248] : memref<4096x200x64xf32, #tpu.memory_space<hbm>> -> memref<1x200x64xf32, #tpu.memory_space<hbm>>
      %dma_start3A_250 = tpu.memref_squeeze %dma_start3A_249 : memref<1x200x64xf32, #tpu.memory_space<hbm>> -> memref<200x64xf32, #tpu.memory_space<hbm>>
      %dma_start3A_251 = arith.constant 0 : i32
      %dma_start3A_252 = arith.constant 0 : i32
      %dma_start3A_253 = tpu.memref_slice %arg8[%dma_start3A_235, %dma_start3A_251, %dma_start3A_252] : memref<4x200x64xf32, #tpu.memory_space<vmem>> -> memref<1x200x64xf32, #tpu.memory_space<vmem>>
      %dma_start3A_254 = tpu.memref_squeeze %dma_start3A_253 : memref<1x200x64xf32, #tpu.memory_space<vmem>> -> memref<200x64xf32, #tpu.memory_space<vmem>>
      tpu.enqueue_dma source(%dma_start3A_254 : memref<200x64xf32, #tpu.memory_space<vmem>>) target(%dma_start3A_250 : memref<200x64xf32, #tpu.memory_space<hbm>>) target_semaphore(%dma_start3A_246 : memref<!tpu.dma_semaphore, #tpu.memory_space<semaphore_mem>>)
      %ge3A_255 = arith.constant 2 : i32
      %ge3A_256 = arith.cmpi sge, %add3A_200, %ge3A_255 : i32
      %add3A_257 = arith.constant 2 : i32
      %add3A_258 = arith.addi %add3A_200, %add3A_257 : i32
      %lt3A_259 = arith.constant 128 : i32
      %lt3A_260 = arith.cmpi slt, %add3A_258, %lt3A_259 : i32
      %and3A_261 = arith.andi %ge3A_256, %lt3A_260 : i1
      %convert_element_type3A_262 = arith.extui %and3A_261 : i1 to i32
      %cond3A_263 = arith.constant 0 : i32
      %cond3A_264 = arith.cmpi ne, %convert_element_type3A_262, %cond3A_263 : i32
      scf.if %cond3A_264 {
        %sub3A = arith.constant 2 : i32
        %sub3A_422 = arith.subi %add3A_200, %sub3A : i32
        %add3A_423 = arith.addi %mul3A_2, %sub3A_422 : i32
        %dma_wait3A_424 = arith.constant 3 : i32
        %dma_wait3A_425 = arith.constant 3 : i32
        %dma_wait3A_426 = arith.constant 0 : i32
        %dma_wait3A_427 = arith.constant 0 : i32
        %dma_wait3A_428 = tpu.memref_slice %arg8[%dma_wait3A_424, %dma_wait3A_426, %dma_wait3A_427] : memref<4x200x64xf32, #tpu.memory_space<vmem>> -> memref<1x200x64xf32, #tpu.memory_space<vmem>>
        %dma_wait3A_429 = tpu.memref_squeeze %dma_wait3A_428 : memref<1x200x64xf32, #tpu.memory_space<vmem>> -> memref<200x64xf32, #tpu.memory_space<vmem>>
        %dma_wait3A_430 = arith.constant 0 : i32
        %dma_wait3A_431 = arith.constant 0 : i32
        %dma_wait3A_432 = tpu.memref_slice %arg5[%add3A_423, %dma_wait3A_430, %dma_wait3A_431] : memref<4096x200x64xf32, #tpu.memory_space<hbm>> -> memref<1x200x64xf32, #tpu.memory_space<hbm>>
        %dma_wait3A_433 = tpu.memref_squeeze %dma_wait3A_432 : memref<1x200x64xf32, #tpu.memory_space<hbm>> -> memref<200x64xf32, #tpu.memory_space<hbm>>
        %dma_wait3A_434 = tpu.memref_slice %arg12[%dma_wait3A_425] : memref<4x!tpu.dma_semaphore, #tpu.memory_space<semaphore_mem>> -> memref<1x!tpu.dma_semaphore, #tpu.memory_space<semaphore_mem>>
        %dma_wait3A_435 = tpu.memref_squeeze %dma_wait3A_434 : memref<1x!tpu.dma_semaphore, #tpu.memory_space<semaphore_mem>> -> memref<!tpu.dma_semaphore, #tpu.memory_space<semaphore_mem>>
        %dma_wait3A_436 = arith.constant 0 : i32
        %dma_wait3A_437 = arith.constant 0 : i32
        %dma_wait3A_438 = tpu.memref_slice %arg5[%add3A_423, %dma_wait3A_436, %dma_wait3A_437] : memref<4096x200x64xf32, #tpu.memory_space<hbm>> -> memref<1x200x64xf32, #tpu.memory_space<hbm>>
        %dma_wait3A_439 = tpu.memref_squeeze %dma_wait3A_438 : memref<1x200x64xf32, #tpu.memory_space<hbm>> -> memref<200x64xf32, #tpu.memory_space<hbm>>
        %dma_wait3A_440 = arith.constant 0 : i32
        %dma_wait3A_441 = arith.constant 0 : i32
        %dma_wait3A_442 = tpu.memref_slice %arg8[%dma_wait3A_424, %dma_wait3A_440, %dma_wait3A_441] : memref<4x200x64xf32, #tpu.memory_space<vmem>> -> memref<1x200x64xf32, #tpu.memory_space<vmem>>
        %dma_wait3A_443 = tpu.memref_squeeze %dma_wait3A_442 : memref<1x200x64xf32, #tpu.memory_space<vmem>> -> memref<200x64xf32, #tpu.memory_space<vmem>>
        tpu.wait_dma2 semaphore(%dma_wait3A_435 : memref<!tpu.dma_semaphore, #tpu.memory_space<semaphore_mem>>) src(%dma_wait3A_443 : memref<200x64xf32, #tpu.memory_space<vmem>>) dst(%dma_wait3A_439 : memref<200x64xf32, #tpu.memory_space<hbm>>)
      } else {
      }
      %add3A_265 = arith.constant 2 : i32
      %add3A_266 = arith.addi %add3A_200, %add3A_265 : i32
      %lt3A_267 = arith.constant 128 : i32
      %lt3A_268 = arith.cmpi slt, %add3A_266, %lt3A_267 : i32
      %convert_element_type3A_269 = arith.extui %lt3A_268 : i1 to i32
      %cond3A_270 = arith.constant 0 : i32
      %cond3A_271 = arith.cmpi ne, %convert_element_type3A_269, %cond3A_270 : i32
      scf.if %cond3A_271 {
        %add3A_422 = arith.constant 2 : i32
        %add3A_423 = arith.addi %add3A_200, %add3A_422 : i32
        %mul3A_424 = arith.constant 208 : i32
        %mul3A_425 = arith.muli %add3A_423, %mul3A_424 : i32
        %add3A_426 = arith.constant 104 : i32
        %add3A_427 = arith.addi %mul3A_425, %add3A_426 : i32
        %dma_start3A_428 = arith.constant 3 : i32
        %dma_start3A_429 = arith.constant 3 : i32
        %dma_start3A_430 = arith.constant 0 : i32
        %dma_start3A_431 = arith.constant 0 : i32
        %dma_start3A_432 = tpu.memref_slice %arg8[%dma_start3A_428, %dma_start3A_430, %dma_start3A_431] : memref<4x200x64xf32, #tpu.memory_space<vmem>> -> memref<1x104x64xf32, #tpu.memory_space<vmem>>
        %dma_start3A_433 = tpu.memref_squeeze %dma_start3A_432 : memref<1x104x64xf32, #tpu.memory_space<vmem>> -> memref<104x64xf32, #tpu.memory_space<vmem>>
        %dma_start3A_434 = tpu.memref_slice %arg7[%mul3A_425] : memref<26624xi32, #tpu.memory_space<vmem>> -> memref<104xi32, #tpu.memory_space<vmem>>
        %dma_start3A_435 = arith.constant 0 : i32
        %dma_start3A_436 = arith.constant 0 : i32
        %dma_start3A_437 = tpu.memref_slice %arg3[%dma_start3A_435, %dma_start3A_436] : memref<1000000x64xf32, #tpu.memory_space<hbm>> -> memref<1000000x64xf32, #tpu.memory_space<hbm>>
        %dma_start3A_438 = tpu.memref_slice %arg11[%dma_start3A_429] : memref<4x!tpu.dma_semaphore, #tpu.memory_space<semaphore_mem>> -> memref<1x!tpu.dma_semaphore, #tpu.memory_space<semaphore_mem>>
        %dma_start3A_439 = tpu.memref_squeeze %dma_start3A_438 : memref<1x!tpu.dma_semaphore, #tpu.memory_space<semaphore_mem>> -> memref<!tpu.dma_semaphore, #tpu.memory_space<semaphore_mem>>
        tpu.enqueue_indirect_dma source(%dma_start3A_437 : memref<1000000x64xf32, #tpu.memory_space<hbm>>) target(%dma_start3A_433 : memref<104x64xf32, #tpu.memory_space<vmem>>) offsets(%dma_start3A_434 : memref<104xi32, #tpu.memory_space<vmem>>) semaphore(%dma_start3A_439 : memref<!tpu.dma_semaphore, #tpu.memory_space<semaphore_mem>>)
        %dma_start3A_440 = arith.constant 3 : i32
        %dma_start3A_441 = arith.constant 3 : i32
        %dma_start3A_442 = arith.constant 104 : i32
        %dma_start3A_443 = arith.constant 0 : i32
        %dma_start3A_444 = tpu.memref_slice %arg8[%dma_start3A_440, %dma_start3A_442, %dma_start3A_443] : memref<4x200x64xf32, #tpu.memory_space<vmem>> -> memref<1x96x64xf32, #tpu.memory_space<vmem>>
        %dma_start3A_445 = tpu.memref_squeeze %dma_start3A_444 : memref<1x96x64xf32, #tpu.memory_space<vmem>> -> memref<96x64xf32, #tpu.memory_space<vmem>>
        %dma_start3A_446 = tpu.memref_slice %arg7[%add3A_427] : memref<26624xi32, #tpu.memory_space<vmem>> -> memref<96xi32, #tpu.memory_space<vmem>>
        %dma_start3A_447 = arith.constant 0 : i32
        %dma_start3A_448 = arith.constant 0 : i32
        %dma_start3A_449 = tpu.memref_slice %arg3[%dma_start3A_447, %dma_start3A_448] : memref<1000000x64xf32, #tpu.memory_space<hbm>> -> memref<1000000x64xf32, #tpu.memory_space<hbm>>
        %dma_start3A_450 = tpu.memref_slice %arg11[%dma_start3A_441] : memref<4x!tpu.dma_semaphore, #tpu.memory_space<semaphore_mem>> -> memref<1x!tpu.dma_semaphore, #tpu.memory_space<semaphore_mem>>
        %dma_start3A_451 = tpu.memref_squeeze %dma_start3A_450 : memref<1x!tpu.dma_semaphore, #tpu.memory_space<semaphore_mem>> -> memref<!tpu.dma_semaphore, #tpu.memory_space<semaphore_mem>>
        tpu.enqueue_indirect_dma source(%dma_start3A_449 : memref<1000000x64xf32, #tpu.memory_space<hbm>>) target(%dma_start3A_445 : memref<96x64xf32, #tpu.memory_space<vmem>>) offsets(%dma_start3A_446 : memref<96xi32, #tpu.memory_space<vmem>>) semaphore(%dma_start3A_451 : memref<!tpu.dma_semaphore, #tpu.memory_space<semaphore_mem>>)
      } else {
      }
      %mul3A_272 = arith.constant 4 : i32
      %mul3A_273 = arith.muli %scan3A_126, %mul3A_272 : i32
      %add3A_274 = arith.constant 2 : i32
      %add3A_275 = arith.addi %mul3A_273, %add3A_274 : i32
      %mul3A_276 = arith.constant 208 : i32
      %mul3A_277 = arith.muli %add3A_275, %mul3A_276 : i32
      %add3A_278 = arith.constant 104 : i32
      %add3A_279 = arith.addi %mul3A_277, %add3A_278 : i32
      %dma_wait3A_280 = arith.constant 2 : i32
      %dma_wait3A_281 = arith.constant 2 : i32
      %dma_wait3A_282 = arith.constant 0 : i32
      %dma_wait3A_283 = arith.constant 0 : i32
      %dma_wait3A_284 = tpu.memref_slice %arg8[%dma_wait3A_280, %dma_wait3A_282, %dma_wait3A_283] : memref<4x200x64xf32, #tpu.memory_space<vmem>> -> memref<1x104x64xf32, #tpu.memory_space<vmem>>
      %dma_wait3A_285 = tpu.memref_squeeze %dma_wait3A_284 : memref<1x104x64xf32, #tpu.memory_space<vmem>> -> memref<104x64xf32, #tpu.memory_space<vmem>>
      %dma_wait3A_286 = tpu.memref_slice %arg7[%mul3A_277] : memref<26624xi32, #tpu.memory_space<vmem>> -> memref<104xi32, #tpu.memory_space<vmem>>
      %dma_wait3A_287 = arith.constant 0 : i32
      %dma_wait3A_288 = arith.constant 0 : i32
      %dma_wait3A_289 = tpu.memref_slice %arg3[%dma_wait3A_287, %dma_wait3A_288] : memref<1000000x64xf32, #tpu.memory_space<hbm>> -> memref<1000000x64xf32, #tpu.memory_space<hbm>>
      %dma_wait3A_290 = tpu.memref_slice %arg11[%dma_wait3A_281] : memref<4x!tpu.dma_semaphore, #tpu.memory_space<semaphore_mem>> -> memref<1x!tpu.dma_semaphore, #tpu.memory_space<semaphore_mem>>
      %dma_wait3A_291 = tpu.memref_squeeze %dma_wait3A_290 : memref<1x!tpu.dma_semaphore, #tpu.memory_space<semaphore_mem>> -> memref<!tpu.dma_semaphore, #tpu.memory_space<semaphore_mem>>
      tpu.wait_indirect_dma semaphore(%dma_wait3A_291 : memref<!tpu.dma_semaphore, #tpu.memory_space<semaphore_mem>>) src(%dma_wait3A_289 : memref<1000000x64xf32, #tpu.memory_space<hbm>>) dst(%dma_wait3A_285 : memref<104x64xf32, #tpu.memory_space<vmem>>)
      %dma_wait3A_292 = arith.constant 2 : i32
      %dma_wait3A_293 = arith.constant 2 : i32
      %dma_wait3A_294 = arith.constant 104 : i32
      %dma_wait3A_295 = arith.constant 0 : i32
      %dma_wait3A_296 = tpu.memref_slice %arg8[%dma_wait3A_292, %dma_wait3A_294, %dma_wait3A_295] : memref<4x200x64xf32, #tpu.memory_space<vmem>> -> memref<1x96x64xf32, #tpu.memory_space<vmem>>
      %dma_wait3A_297 = tpu.memref_squeeze %dma_wait3A_296 : memref<1x96x64xf32, #tpu.memory_space<vmem>> -> memref<96x64xf32, #tpu.memory_space<vmem>>
      %dma_wait3A_298 = tpu.memref_slice %arg7[%add3A_279] : memref<26624xi32, #tpu.memory_space<vmem>> -> memref<96xi32, #tpu.memory_space<vmem>>
      %dma_wait3A_299 = arith.constant 0 : i32
      %dma_wait3A_300 = arith.constant 0 : i32
      %dma_wait3A_301 = tpu.memref_slice %arg3[%dma_wait3A_299, %dma_wait3A_300] : memref<1000000x64xf32, #tpu.memory_space<hbm>> -> memref<1000000x64xf32, #tpu.memory_space<hbm>>
      %dma_wait3A_302 = tpu.memref_slice %arg11[%dma_wait3A_293] : memref<4x!tpu.dma_semaphore, #tpu.memory_space<semaphore_mem>> -> memref<1x!tpu.dma_semaphore, #tpu.memory_space<semaphore_mem>>
      %dma_wait3A_303 = tpu.memref_squeeze %dma_wait3A_302 : memref<1x!tpu.dma_semaphore, #tpu.memory_space<semaphore_mem>> -> memref<!tpu.dma_semaphore, #tpu.memory_space<semaphore_mem>>
      tpu.wait_indirect_dma semaphore(%dma_wait3A_303 : memref<!tpu.dma_semaphore, #tpu.memory_space<semaphore_mem>>) src(%dma_wait3A_301 : memref<1000000x64xf32, #tpu.memory_space<hbm>>) dst(%dma_wait3A_297 : memref<96x64xf32, #tpu.memory_space<vmem>>)
      %scan3A_304 = arith.constant 0 : i32
      %scan3A_305 = arith.constant 200 : i32
      %scan3A_306 = arith.addi %scan3A_304, %scan3A_305 : i32
      %scan3A_307 = arith.constant 1 : i32
      scf.for %scan3A_422 = %scan3A_304 to %scan3A_306 step %scan3A_307  : i32 {
        %mul3A_423 = arith.constant 64 : i32
        %mul3A_424 = arith.muli %scan3A_422, %mul3A_423 : i32
        %add3A_425 = arith.constant 0 : i32
        %add3A_426 = arith.addi %mul3A_424, %add3A_425 : i32
        %get3A = arith.index_cast %add3A_426 : i32 to index
        %get3A_427 = tpu.vector_load %arg9[%get3A] {strides = array<i32>} : memref<12800xf32, #tpu.memory_space<vmem>>, vector<16xf32>,
        %swap3A = arith.constant 2 : i32
        %swap3A_428 = arith.index_cast %swap3A : i32 to index
        %swap3A_429 = arith.index_cast %scan3A_422 : i32 to index
        %swap3A_430 = arith.constant 0 : index
        %swap3A_431 = tpu.vector_load %arg8[%swap3A_428, %swap3A_429, %swap3A_430] {strides = array<i32>} : memref<4x200x64xf32, #tpu.memory_space<vmem>>, vector<16xf32>,
        tpu.vector_store %arg8[%swap3A_428, %swap3A_429, %swap3A_430], %get3A_427 {add = true, strides = array<i32>} : memref<4x200x64xf32, #tpu.memory_space<vmem>>, vector<16xf32>,
        %mul3A_432 = arith.constant 64 : i32
        %mul3A_433 = arith.muli %scan3A_422, %mul3A_432 : i32
        %add3A_434 = arith.constant 16 : i32
        %add3A_435 = arith.addi %mul3A_433, %add3A_434 : i32
        %get3A_436 = arith.index_cast %add3A_435 : i32 to index
        %get3A_437 = tpu.vector_load %arg9[%get3A_436] {strides = array<i32>} : memref<12800xf32, #tpu.memory_space<vmem>>, vector<16xf32>,
        %swap3A_438 = arith.constant 2 : i32
        %swap3A_439 = arith.index_cast %swap3A_438 : i32 to index
        %swap3A_440 = arith.index_cast %scan3A_422 : i32 to index
        %swap3A_441 = arith.constant 16 : index
        %swap3A_442 = tpu.vector_load %arg8[%swap3A_439, %swap3A_440, %swap3A_441] {strides = array<i32>} : memref<4x200x64xf32, #tpu.memory_space<vmem>>, vector<16xf32>,
        tpu.vector_store %arg8[%swap3A_439, %swap3A_440, %swap3A_441], %get3A_437 {add = true, strides = array<i32>} : memref<4x200x64xf32, #tpu.memory_space<vmem>>, vector<16xf32>,
        %mul3A_443 = arith.constant 64 : i32
        %mul3A_444 = arith.muli %scan3A_422, %mul3A_443 : i32
        %add3A_445 = arith.constant 32 : i32
        %add3A_446 = arith.addi %mul3A_444, %add3A_445 : i32
        %get3A_447 = arith.index_cast %add3A_446 : i32 to index
        %get3A_448 = tpu.vector_load %arg9[%get3A_447] {strides = array<i32>} : memref<12800xf32, #tpu.memory_space<vmem>>, vector<16xf32>,
        %swap3A_449 = arith.constant 2 : i32
        %swap3A_450 = arith.index_cast %swap3A_449 : i32 to index
        %swap3A_451 = arith.index_cast %scan3A_422 : i32 to index
        %swap3A_452 = arith.constant 32 : index
        %swap3A_453 = tpu.vector_load %arg8[%swap3A_450, %swap3A_451, %swap3A_452] {strides = array<i32>} : memref<4x200x64xf32, #tpu.memory_space<vmem>>, vector<16xf32>,
        tpu.vector_store %arg8[%swap3A_450, %swap3A_451, %swap3A_452], %get3A_448 {add = true, strides = array<i32>} : memref<4x200x64xf32, #tpu.memory_space<vmem>>, vector<16xf32>,
        %mul3A_454 = arith.constant 64 : i32
        %mul3A_455 = arith.muli %scan3A_422, %mul3A_454 : i32
        %add3A_456 = arith.constant 48 : i32
        %add3A_457 = arith.addi %mul3A_455, %add3A_456 : i32
        %get3A_458 = arith.index_cast %add3A_457 : i32 to index
        %get3A_459 = tpu.vector_load %arg9[%get3A_458] {strides = array<i32>} : memref<12800xf32, #tpu.memory_space<vmem>>, vector<16xf32>,
        %swap3A_460 = arith.constant 2 : i32
        %swap3A_461 = arith.index_cast %swap3A_460 : i32 to index
        %swap3A_462 = arith.index_cast %scan3A_422 : i32 to index
        %swap3A_463 = arith.constant 48 : index
        %swap3A_464 = tpu.vector_load %arg8[%swap3A_461, %swap3A_462, %swap3A_463] {strides = array<i32>} : memref<4x200x64xf32, #tpu.memory_space<vmem>>, vector<16xf32>,
        tpu.vector_store %arg8[%swap3A_461, %swap3A_462, %swap3A_463], %get3A_459 {add = true, strides = array<i32>} : memref<4x200x64xf32, #tpu.memory_space<vmem>>, vector<16xf32>,
      }
      %scan3A_308 = arith.constant 200 : i32
      %add3A_309 = arith.addi %mul3A_2, %add3A_275 : i32
      %dma_start3A_310 = arith.constant 2 : i32
      %dma_start3A_311 = arith.constant 2 : i32
      %dma_start3A_312 = arith.constant 0 : i32
      %dma_start3A_313 = arith.constant 0 : i32
      %dma_start3A_314 = tpu.memref_slice %arg8[%dma_start3A_310, %dma_start3A_312, %dma_start3A_313] : memref<4x200x64xf32, #tpu.memory_space<vmem>> -> memref<1x200x64xf32, #tpu.memory_space<vmem>>
      %dma_start3A_315 = tpu.memref_squeeze %dma_start3A_314 : memref<1x200x64xf32, #tpu.memory_space<vmem>> -> memref<200x64xf32, #tpu.memory_space<vmem>>
      %dma_start3A_316 = arith.constant 0 : i32
      %dma_start3A_317 = arith.constant 0 : i32
      %dma_start3A_318 = tpu.memref_slice %arg5[%add3A_309, %dma_start3A_316, %dma_start3A_317] : memref<4096x200x64xf32, #tpu.memory_space<hbm>> -> memref<1x200x64xf32, #tpu.memory_space<hbm>>
      %dma_start3A_319 = tpu.memref_squeeze %dma_start3A_318 : memref<1x200x64xf32, #tpu.memory_space<hbm>> -> memref<200x64xf32, #tpu.memory_space<hbm>>
      %dma_start3A_320 = tpu.memref_slice %arg12[%dma_start3A_311] : memref<4x!tpu.dma_semaphore, #tpu.memory_space<semaphore_mem>> -> memref<1x!tpu.dma_semaphore, #tpu.memory_space<semaphore_mem>>
      %dma_start3A_321 = tpu.memref_squeeze %dma_start3A_320 : memref<1x!tpu.dma_semaphore, #tpu.memory_space<semaphore_mem>> -> memref<!tpu.dma_semaphore, #tpu.memory_space<semaphore_mem>>
      %dma_start3A_322 = arith.constant 0 : i32
      %dma_start3A_323 = arith.constant 0 : i32
      %dma_start3A_324 = tpu.memref_slice %arg5[%add3A_309, %dma_start3A_322, %dma_start3A_323] : memref<4096x200x64xf32, #tpu.memory_space<hbm>> -> memref<1x200x64xf32, #tpu.memory_space<hbm>>
      %dma_start3A_325 = tpu.memref_squeeze %dma_start3A_324 : memref<1x200x64xf32, #tpu.memory_space<hbm>> -> memref<200x64xf32, #tpu.memory_space<hbm>>
      %dma_start3A_326 = arith.constant 0 : i32
      %dma_start3A_327 = arith.constant 0 : i32
      %dma_start3A_328 = tpu.memref_slice %arg8[%dma_start3A_310, %dma_start3A_326, %dma_start3A_327] : memref<4x200x64xf32, #tpu.memory_space<vmem>> -> memref<1x200x64xf32, #tpu.memory_space<vmem>>
      %dma_start3A_329 = tpu.memref_squeeze %dma_start3A_328 : memref<1x200x64xf32, #tpu.memory_space<vmem>> -> memref<200x64xf32, #tpu.memory_space<vmem>>
      tpu.enqueue_dma source(%dma_start3A_329 : memref<200x64xf32, #tpu.memory_space<vmem>>) target(%dma_start3A_325 : memref<200x64xf32, #tpu.memory_space<hbm>>) target_semaphore(%dma_start3A_321 : memref<!tpu.dma_semaphore, #tpu.memory_space<semaphore_mem>>)
      %ge3A_330 = arith.constant 2 : i32
      %ge3A_331 = arith.cmpi sge, %add3A_275, %ge3A_330 : i32
      %add3A_332 = arith.constant 2 : i32
      %add3A_333 = arith.addi %add3A_275, %add3A_332 : i32
      %lt3A_334 = arith.constant 128 : i32
      %lt3A_335 = arith.cmpi slt, %add3A_333, %lt3A_334 : i32
      %and3A_336 = arith.andi %ge3A_331, %lt3A_335 : i1
      %convert_element_type3A_337 = arith.extui %and3A_336 : i1 to i32
      %cond3A_338 = arith.constant 0 : i32
      %cond3A_339 = arith.cmpi ne, %convert_element_type3A_337, %cond3A_338 : i32
      scf.if %cond3A_339 {
        %sub3A = arith.constant 2 : i32
        %sub3A_422 = arith.subi %add3A_275, %sub3A : i32
        %add3A_423 = arith.addi %mul3A_2, %sub3A_422 : i32
        %dma_wait3A_424 = arith.constant 0 : i32
        %dma_wait3A_425 = arith.constant 0 : i32
        %dma_wait3A_426 = arith.constant 0 : i32
        %dma_wait3A_427 = arith.constant 0 : i32
        %dma_wait3A_428 = tpu.memref_slice %arg8[%dma_wait3A_424, %dma_wait3A_426, %dma_wait3A_427] : memref<4x200x64xf32, #tpu.memory_space<vmem>> -> memref<1x200x64xf32, #tpu.memory_space<vmem>>
        %dma_wait3A_429 = tpu.memref_squeeze %dma_wait3A_428 : memref<1x200x64xf32, #tpu.memory_space<vmem>> -> memref<200x64xf32, #tpu.memory_space<vmem>>
        %dma_wait3A_430 = arith.constant 0 : i32
        %dma_wait3A_431 = arith.constant 0 : i32
        %dma_wait3A_432 = tpu.memref_slice %arg5[%add3A_423, %dma_wait3A_430, %dma_wait3A_431] : memref<4096x200x64xf32, #tpu.memory_space<hbm>> -> memref<1x200x64xf32, #tpu.memory_space<hbm>>
        %dma_wait3A_433 = tpu.memref_squeeze %dma_wait3A_432 : memref<1x200x64xf32, #tpu.memory_space<hbm>> -> memref<200x64xf32, #tpu.memory_space<hbm>>
        %dma_wait3A_434 = tpu.memref_slice %arg12[%dma_wait3A_425] : memref<4x!tpu.dma_semaphore, #tpu.memory_space<semaphore_mem>> -> memref<1x!tpu.dma_semaphore, #tpu.memory_space<semaphore_mem>>
        %dma_wait3A_435 = tpu.memref_squeeze %dma_wait3A_434 : memref<1x!tpu.dma_semaphore, #tpu.memory_space<semaphore_mem>> -> memref<!tpu.dma_semaphore, #tpu.memory_space<semaphore_mem>>
        %dma_wait3A_436 = arith.constant 0 : i32
        %dma_wait3A_437 = arith.constant 0 : i32
        %dma_wait3A_438 = tpu.memref_slice %arg5[%add3A_423, %dma_wait3A_436, %dma_wait3A_437] : memref<4096x200x64xf32, #tpu.memory_space<hbm>> -> memref<1x200x64xf32, #tpu.memory_space<hbm>>
        %dma_wait3A_439 = tpu.memref_squeeze %dma_wait3A_438 : memref<1x200x64xf32, #tpu.memory_space<hbm>> -> memref<200x64xf32, #tpu.memory_space<hbm>>
        %dma_wait3A_440 = arith.constant 0 : i32
        %dma_wait3A_441 = arith.constant 0 : i32
        %dma_wait3A_442 = tpu.memref_slice %arg8[%dma_wait3A_424, %dma_wait3A_440, %dma_wait3A_441] : memref<4x200x64xf32, #tpu.memory_space<vmem>> -> memref<1x200x64xf32, #tpu.memory_space<vmem>>
        %dma_wait3A_443 = tpu.memref_squeeze %dma_wait3A_442 : memref<1x200x64xf32, #tpu.memory_space<vmem>> -> memref<200x64xf32, #tpu.memory_space<vmem>>
        tpu.wait_dma2 semaphore(%dma_wait3A_435 : memref<!tpu.dma_semaphore, #tpu.memory_space<semaphore_mem>>) src(%dma_wait3A_443 : memref<200x64xf32, #tpu.memory_space<vmem>>) dst(%dma_wait3A_439 : memref<200x64xf32, #tpu.memory_space<hbm>>)
      } else {
      }
      %add3A_340 = arith.constant 2 : i32
      %add3A_341 = arith.addi %add3A_275, %add3A_340 : i32
      %lt3A_342 = arith.constant 128 : i32
      %lt3A_343 = arith.cmpi slt, %add3A_341, %lt3A_342 : i32
      %convert_element_type3A_344 = arith.extui %lt3A_343 : i1 to i32
      %cond3A_345 = arith.constant 0 : i32
      %cond3A_346 = arith.cmpi ne, %convert_element_type3A_344, %cond3A_345 : i32
      scf.if %cond3A_346 {
        %add3A_422 = arith.constant 2 : i32
        %add3A_423 = arith.addi %add3A_275, %add3A_422 : i32
        %mul3A_424 = arith.constant 208 : i32
        %mul3A_425 = arith.muli %add3A_423, %mul3A_424 : i32
        %add3A_426 = arith.constant 104 : i32
        %add3A_427 = arith.addi %mul3A_425, %add3A_426 : i32
        %dma_start3A_428 = arith.constant 0 : i32
        %dma_start3A_429 = arith.constant 0 : i32
        %dma_start3A_430 = arith.constant 0 : i32
        %dma_start3A_431 = arith.constant 0 : i32
        %dma_start3A_432 = tpu.memref_slice %arg8[%dma_start3A_428, %dma_start3A_430, %dma_start3A_431] : memref<4x200x64xf32, #tpu.memory_space<vmem>> -> memref<1x104x64xf32, #tpu.memory_space<vmem>>
        %dma_start3A_433 = tpu.memref_squeeze %dma_start3A_432 : memref<1x104x64xf32, #tpu.memory_space<vmem>> -> memref<104x64xf32, #tpu.memory_space<vmem>>
        %dma_start3A_434 = tpu.memref_slice %arg7[%mul3A_425] : memref<26624xi32, #tpu.memory_space<vmem>> -> memref<104xi32, #tpu.memory_space<vmem>>
        %dma_start3A_435 = arith.constant 0 : i32
        %dma_start3A_436 = arith.constant 0 : i32
        %dma_start3A_437 = tpu.memref_slice %arg3[%dma_start3A_435, %dma_start3A_436] : memref<1000000x64xf32, #tpu.memory_space<hbm>> -> memref<1000000x64xf32, #tpu.memory_space<hbm>>
        %dma_start3A_438 = tpu.memref_slice %arg11[%dma_start3A_429] : memref<4x!tpu.dma_semaphore, #tpu.memory_space<semaphore_mem>> -> memref<1x!tpu.dma_semaphore, #tpu.memory_space<semaphore_mem>>
        %dma_start3A_439 = tpu.memref_squeeze %dma_start3A_438 : memref<1x!tpu.dma_semaphore, #tpu.memory_space<semaphore_mem>> -> memref<!tpu.dma_semaphore, #tpu.memory_space<semaphore_mem>>
        tpu.enqueue_indirect_dma source(%dma_start3A_437 : memref<1000000x64xf32, #tpu.memory_space<hbm>>) target(%dma_start3A_433 : memref<104x64xf32, #tpu.memory_space<vmem>>) offsets(%dma_start3A_434 : memref<104xi32, #tpu.memory_space<vmem>>) semaphore(%dma_start3A_439 : memref<!tpu.dma_semaphore, #tpu.memory_space<semaphore_mem>>)
        %dma_start3A_440 = arith.constant 0 : i32
        %dma_start3A_441 = arith.constant 0 : i32
        %dma_start3A_442 = arith.constant 104 : i32
        %dma_start3A_443 = arith.constant 0 : i32
        %dma_start3A_444 = tpu.memref_slice %arg8[%dma_start3A_440, %dma_start3A_442, %dma_start3A_443] : memref<4x200x64xf32, #tpu.memory_space<vmem>> -> memref<1x96x64xf32, #tpu.memory_space<vmem>>
        %dma_start3A_445 = tpu.memref_squeeze %dma_start3A_444 : memref<1x96x64xf32, #tpu.memory_space<vmem>> -> memref<96x64xf32, #tpu.memory_space<vmem>>
        %dma_start3A_446 = tpu.memref_slice %arg7[%add3A_427] : memref<26624xi32, #tpu.memory_space<vmem>> -> memref<96xi32, #tpu.memory_space<vmem>>
        %dma_start3A_447 = arith.constant 0 : i32
        %dma_start3A_448 = arith.constant 0 : i32
        %dma_start3A_449 = tpu.memref_slice %arg3[%dma_start3A_447, %dma_start3A_448] : memref<1000000x64xf32, #tpu.memory_space<hbm>> -> memref<1000000x64xf32, #tpu.memory_space<hbm>>
        %dma_start3A_450 = tpu.memref_slice %arg11[%dma_start3A_441] : memref<4x!tpu.dma_semaphore, #tpu.memory_space<semaphore_mem>> -> memref<1x!tpu.dma_semaphore, #tpu.memory_space<semaphore_mem>>
        %dma_start3A_451 = tpu.memref_squeeze %dma_start3A_450 : memref<1x!tpu.dma_semaphore, #tpu.memory_space<semaphore_mem>> -> memref<!tpu.dma_semaphore, #tpu.memory_space<semaphore_mem>>
        tpu.enqueue_indirect_dma source(%dma_start3A_449 : memref<1000000x64xf32, #tpu.memory_space<hbm>>) target(%dma_start3A_445 : memref<96x64xf32, #tpu.memory_space<vmem>>) offsets(%dma_start3A_446 : memref<96xi32, #tpu.memory_space<vmem>>) semaphore(%dma_start3A_451 : memref<!tpu.dma_semaphore, #tpu.memory_space<semaphore_mem>>)
      } else {
      }
      %mul3A_347 = arith.constant 4 : i32
      %mul3A_348 = arith.muli %scan3A_126, %mul3A_347 : i32
      %add3A_349 = arith.constant 3 : i32
      %add3A_350 = arith.addi %mul3A_348, %add3A_349 : i32
      %mul3A_351 = arith.constant 208 : i32
      %mul3A_352 = arith.muli %add3A_350, %mul3A_351 : i32
      %add3A_353 = arith.constant 104 : i32
      %add3A_354 = arith.addi %mul3A_352, %add3A_353 : i32
      %dma_wait3A_355 = arith.constant 3 : i32
      %dma_wait3A_356 = arith.constant 3 : i32
      %dma_wait3A_357 = arith.constant 0 : i32
      %dma_wait3A_358 = arith.constant 0 : i32
      %dma_wait3A_359 = tpu.memref_slice %arg8[%dma_wait3A_355, %dma_wait3A_357, %dma_wait3A_358] : memref<4x200x64xf32, #tpu.memory_space<vmem>> -> memref<1x104x64xf32, #tpu.memory_space<vmem>>
      %dma_wait3A_360 = tpu.memref_squeeze %dma_wait3A_359 : memref<1x104x64xf32, #tpu.memory_space<vmem>> -> memref<104x64xf32, #tpu.memory_space<vmem>>
      %dma_wait3A_361 = tpu.memref_slice %arg7[%mul3A_352] : memref<26624xi32, #tpu.memory_space<vmem>> -> memref<104xi32, #tpu.memory_space<vmem>>
      %dma_wait3A_362 = arith.constant 0 : i32
      %dma_wait3A_363 = arith.constant 0 : i32
      %dma_wait3A_364 = tpu.memref_slice %arg3[%dma_wait3A_362, %dma_wait3A_363] : memref<1000000x64xf32, #tpu.memory_space<hbm>> -> memref<1000000x64xf32, #tpu.memory_space<hbm>>
      %dma_wait3A_365 = tpu.memref_slice %arg11[%dma_wait3A_356] : memref<4x!tpu.dma_semaphore, #tpu.memory_space<semaphore_mem>> -> memref<1x!tpu.dma_semaphore, #tpu.memory_space<semaphore_mem>>
      %dma_wait3A_366 = tpu.memref_squeeze %dma_wait3A_365 : memref<1x!tpu.dma_semaphore, #tpu.memory_space<semaphore_mem>> -> memref<!tpu.dma_semaphore, #tpu.memory_space<semaphore_mem>>
      tpu.wait_indirect_dma semaphore(%dma_wait3A_366 : memref<!tpu.dma_semaphore, #tpu.memory_space<semaphore_mem>>) src(%dma_wait3A_364 : memref<1000000x64xf32, #tpu.memory_space<hbm>>) dst(%dma_wait3A_360 : memref<104x64xf32, #tpu.memory_space<vmem>>)
      %dma_wait3A_367 = arith.constant 3 : i32
      %dma_wait3A_368 = arith.constant 3 : i32
      %dma_wait3A_369 = arith.constant 104 : i32
      %dma_wait3A_370 = arith.constant 0 : i32
      %dma_wait3A_371 = tpu.memref_slice %arg8[%dma_wait3A_367, %dma_wait3A_369, %dma_wait3A_370] : memref<4x200x64xf32, #tpu.memory_space<vmem>> -> memref<1x96x64xf32, #tpu.memory_space<vmem>>
      %dma_wait3A_372 = tpu.memref_squeeze %dma_wait3A_371 : memref<1x96x64xf32, #tpu.memory_space<vmem>> -> memref<96x64xf32, #tpu.memory_space<vmem>>
      %dma_wait3A_373 = tpu.memref_slice %arg7[%add3A_354] : memref<26624xi32, #tpu.memory_space<vmem>> -> memref<96xi32, #tpu.memory_space<vmem>>
      %dma_wait3A_374 = arith.constant 0 : i32
      %dma_wait3A_375 = arith.constant 0 : i32
      %dma_wait3A_376 = tpu.memref_slice %arg3[%dma_wait3A_374, %dma_wait3A_375] : memref<1000000x64xf32, #tpu.memory_space<hbm>> -> memref<1000000x64xf32, #tpu.memory_space<hbm>>
      %dma_wait3A_377 = tpu.memref_slice %arg11[%dma_wait3A_368] : memref<4x!tpu.dma_semaphore, #tpu.memory_space<semaphore_mem>> -> memref<1x!tpu.dma_semaphore, #tpu.memory_space<semaphore_mem>>
      %dma_wait3A_378 = tpu.memref_squeeze %dma_wait3A_377 : memref<1x!tpu.dma_semaphore, #tpu.memory_space<semaphore_mem>> -> memref<!tpu.dma_semaphore, #tpu.memory_space<semaphore_mem>>
      tpu.wait_indirect_dma semaphore(%dma_wait3A_378 : memref<!tpu.dma_semaphore, #tpu.memory_space<semaphore_mem>>) src(%dma_wait3A_376 : memref<1000000x64xf32, #tpu.memory_space<hbm>>) dst(%dma_wait3A_372 : memref<96x64xf32, #tpu.memory_space<vmem>>)
      %scan3A_379 = arith.constant 0 : i32
      %scan3A_380 = arith.constant 200 : i32
      %scan3A_381 = arith.addi %scan3A_379, %scan3A_380 : i32
      %scan3A_382 = arith.constant 1 : i32
      scf.for %scan3A_422 = %scan3A_379 to %scan3A_381 step %scan3A_382  : i32 {
        %mul3A_423 = arith.constant 64 : i32
        %mul3A_424 = arith.muli %scan3A_422, %mul3A_423 : i32
        %add3A_425 = arith.constant 0 : i32
        %add3A_426 = arith.addi %mul3A_424, %add3A_425 : i32
        %get3A = arith.index_cast %add3A_426 : i32 to index
        %get3A_427 = tpu.vector_load %arg9[%get3A] {strides = array<i32>} : memref<12800xf32, #tpu.memory_space<vmem>>, vector<16xf32>,
        %swap3A = arith.constant 3 : i32
        %swap3A_428 = arith.index_cast %swap3A : i32 to index
        %swap3A_429 = arith.index_cast %scan3A_422 : i32 to index
        %swap3A_430 = arith.constant 0 : index
        %swap3A_431 = tpu.vector_load %arg8[%swap3A_428, %swap3A_429, %swap3A_430] {strides = array<i32>} : memref<4x200x64xf32, #tpu.memory_space<vmem>>, vector<16xf32>,
        tpu.vector_store %arg8[%swap3A_428, %swap3A_429, %swap3A_430], %get3A_427 {add = true, strides = array<i32>} : memref<4x200x64xf32, #tpu.memory_space<vmem>>, vector<16xf32>,
        %mul3A_432 = arith.constant 64 : i32
        %mul3A_433 = arith.muli %scan3A_422, %mul3A_432 : i32
        %add3A_434 = arith.constant 16 : i32
        %add3A_435 = arith.addi %mul3A_433, %add3A_434 : i32
        %get3A_436 = arith.index_cast %add3A_435 : i32 to index
        %get3A_437 = tpu.vector_load %arg9[%get3A_436] {strides = array<i32>} : memref<12800xf32, #tpu.memory_space<vmem>>, vector<16xf32>,
        %swap3A_438 = arith.constant 3 : i32
        %swap3A_439 = arith.index_cast %swap3A_438 : i32 to index
        %swap3A_440 = arith.index_cast %scan3A_422 : i32 to index
        %swap3A_441 = arith.constant 16 : index
        %swap3A_442 = tpu.vector_load %arg8[%swap3A_439, %swap3A_440, %swap3A_441] {strides = array<i32>} : memref<4x200x64xf32, #tpu.memory_space<vmem>>, vector<16xf32>,
        tpu.vector_store %arg8[%swap3A_439, %swap3A_440, %swap3A_441], %get3A_437 {add = true, strides = array<i32>} : memref<4x200x64xf32, #tpu.memory_space<vmem>>, vector<16xf32>,
        %mul3A_443 = arith.constant 64 : i32
        %mul3A_444 = arith.muli %scan3A_422, %mul3A_443 : i32
        %add3A_445 = arith.constant 32 : i32
        %add3A_446 = arith.addi %mul3A_444, %add3A_445 : i32
        %get3A_447 = arith.index_cast %add3A_446 : i32 to index
        %get3A_448 = tpu.vector_load %arg9[%get3A_447] {strides = array<i32>} : memref<12800xf32, #tpu.memory_space<vmem>>, vector<16xf32>,
        %swap3A_449 = arith.constant 3 : i32
        %swap3A_450 = arith.index_cast %swap3A_449 : i32 to index
        %swap3A_451 = arith.index_cast %scan3A_422 : i32 to index
        %swap3A_452 = arith.constant 32 : index
        %swap3A_453 = tpu.vector_load %arg8[%swap3A_450, %swap3A_451, %swap3A_452] {strides = array<i32>} : memref<4x200x64xf32, #tpu.memory_space<vmem>>, vector<16xf32>,
        tpu.vector_store %arg8[%swap3A_450, %swap3A_451, %swap3A_452], %get3A_448 {add = true, strides = array<i32>} : memref<4x200x64xf32, #tpu.memory_space<vmem>>, vector<16xf32>,
        %mul3A_454 = arith.constant 64 : i32
        %mul3A_455 = arith.muli %scan3A_422, %mul3A_454 : i32
        %add3A_456 = arith.constant 48 : i32
        %add3A_457 = arith.addi %mul3A_455, %add3A_456 : i32
        %get3A_458 = arith.index_cast %add3A_457 : i32 to index
        %get3A_459 = tpu.vector_load %arg9[%get3A_458] {strides = array<i32>} : memref<12800xf32, #tpu.memory_space<vmem>>, vector<16xf32>,
        %swap3A_460 = arith.constant 3 : i32
        %swap3A_461 = arith.index_cast %swap3A_460 : i32 to index
        %swap3A_462 = arith.index_cast %scan3A_422 : i32 to index
        %swap3A_463 = arith.constant 48 : index
        %swap3A_464 = tpu.vector_load %arg8[%swap3A_461, %swap3A_462, %swap3A_463] {strides = array<i32>} : memref<4x200x64xf32, #tpu.memory_space<vmem>>, vector<16xf32>,
        tpu.vector_store %arg8[%swap3A_461, %swap3A_462, %swap3A_463], %get3A_459 {add = true, strides = array<i32>} : memref<4x200x64xf32, #tpu.memory_space<vmem>>, vector<16xf32>,
      }
      %scan3A_383 = arith.constant 200 : i32
      %add3A_384 = arith.addi %mul3A_2, %add3A_350 : i32
      %dma_start3A_385 = arith.constant 3 : i32
      %dma_start3A_386 = arith.constant 3 : i32
      %dma_start3A_387 = arith.constant 0 : i32
      %dma_start3A_388 = arith.constant 0 : i32
      %dma_start3A_389 = tpu.memref_slice %arg8[%dma_start3A_385, %dma_start3A_387, %dma_start3A_388] : memref<4x200x64xf32, #tpu.memory_space<vmem>> -> memref<1x200x64xf32, #tpu.memory_space<vmem>>
      %dma_start3A_390 = tpu.memref_squeeze %dma_start3A_389 : memref<1x200x64xf32, #tpu.memory_space<vmem>> -> memref<200x64xf32, #tpu.memory_space<vmem>>
      %dma_start3A_391 = arith.constant 0 : i32
      %dma_start3A_392 = arith.constant 0 : i32
      %dma_start3A_393 = tpu.memref_slice %arg5[%add3A_384, %dma_start3A_391, %dma_start3A_392] : memref<4096x200x64xf32, #tpu.memory_space<hbm>> -> memref<1x200x64xf32, #tpu.memory_space<hbm>>
      %dma_start3A_394 = tpu.memref_squeeze %dma_start3A_393 : memref<1x200x64xf32, #tpu.memory_space<hbm>> -> memref<200x64xf32, #tpu.memory_space<hbm>>
      %dma_start3A_395 = tpu.memref_slice %arg12[%dma_start3A_386] : memref<4x!tpu.dma_semaphore, #tpu.memory_space<semaphore_mem>> -> memref<1x!tpu.dma_semaphore, #tpu.memory_space<semaphore_mem>>
      %dma_start3A_396 = tpu.memref_squeeze %dma_start3A_395 : memref<1x!tpu.dma_semaphore, #tpu.memory_space<semaphore_mem>> -> memref<!tpu.dma_semaphore, #tpu.memory_space<semaphore_mem>>
      %dma_start3A_397 = arith.constant 0 : i32
      %dma_start3A_398 = arith.constant 0 : i32
      %dma_start3A_399 = tpu.memref_slice %arg5[%add3A_384, %dma_start3A_397, %dma_start3A_398] : memref<4096x200x64xf32, #tpu.memory_space<hbm>> -> memref<1x200x64xf32, #tpu.memory_space<hbm>>
      %dma_start3A_400 = tpu.memref_squeeze %dma_start3A_399 : memref<1x200x64xf32, #tpu.memory_space<hbm>> -> memref<200x64xf32, #tpu.memory_space<hbm>>
      %dma_start3A_401 = arith.constant 0 : i32
      %dma_start3A_402 = arith.constant 0 : i32
      %dma_start3A_403 = tpu.memref_slice %arg8[%dma_start3A_385, %dma_start3A_401, %dma_start3A_402] : memref<4x200x64xf32, #tpu.memory_space<vmem>> -> memref<1x200x64xf32, #tpu.memory_space<vmem>>
      %dma_start3A_404 = tpu.memref_squeeze %dma_start3A_403 : memref<1x200x64xf32, #tpu.memory_space<vmem>> -> memref<200x64xf32, #tpu.memory_space<vmem>>
      tpu.enqueue_dma source(%dma_start3A_404 : memref<200x64xf32, #tpu.memory_space<vmem>>) target(%dma_start3A_400 : memref<200x64xf32, #tpu.memory_space<hbm>>) target_semaphore(%dma_start3A_396 : memref<!tpu.dma_semaphore, #tpu.memory_space<semaphore_mem>>)
      %ge3A_405 = arith.constant 2 : i32
      %ge3A_406 = arith.cmpi sge, %add3A_350, %ge3A_405 : i32
      %add3A_407 = arith.constant 2 : i32
      %add3A_408 = arith.addi %add3A_350, %add3A_407 : i32
      %lt3A_409 = arith.constant 128 : i32
      %lt3A_410 = arith.cmpi slt, %add3A_408, %lt3A_409 : i32
      %and3A_411 = arith.andi %ge3A_406, %lt3A_410 : i1
      %convert_element_type3A_412 = arith.extui %and3A_411 : i1 to i32
      %cond3A_413 = arith.constant 0 : i32
      %cond3A_414 = arith.cmpi ne, %convert_element_type3A_412, %cond3A_413 : i32
      scf.if %cond3A_414 {
        %sub3A = arith.constant 2 : i32
        %sub3A_422 = arith.subi %add3A_350, %sub3A : i32
        %add3A_423 = arith.addi %mul3A_2, %sub3A_422 : i32
        %dma_wait3A_424 = arith.constant 1 : i32
        %dma_wait3A_425 = arith.constant 1 : i32
        %dma_wait3A_426 = arith.constant 0 : i32
        %dma_wait3A_427 = arith.constant 0 : i32
        %dma_wait3A_428 = tpu.memref_slice %arg8[%dma_wait3A_424, %dma_wait3A_426, %dma_wait3A_427] : memref<4x200x64xf32, #tpu.memory_space<vmem>> -> memref<1x200x64xf32, #tpu.memory_space<vmem>>
        %dma_wait3A_429 = tpu.memref_squeeze %dma_wait3A_428 : memref<1x200x64xf32, #tpu.memory_space<vmem>> -> memref<200x64xf32, #tpu.memory_space<vmem>>
        %dma_wait3A_430 = arith.constant 0 : i32
        %dma_wait3A_431 = arith.constant 0 : i32
        %dma_wait3A_432 = tpu.memref_slice %arg5[%add3A_423, %dma_wait3A_430, %dma_wait3A_431] : memref<4096x200x64xf32, #tpu.memory_space<hbm>> -> memref<1x200x64xf32, #tpu.memory_space<hbm>>
        %dma_wait3A_433 = tpu.memref_squeeze %dma_wait3A_432 : memref<1x200x64xf32, #tpu.memory_space<hbm>> -> memref<200x64xf32, #tpu.memory_space<hbm>>
        %dma_wait3A_434 = tpu.memref_slice %arg12[%dma_wait3A_425] : memref<4x!tpu.dma_semaphore, #tpu.memory_space<semaphore_mem>> -> memref<1x!tpu.dma_semaphore, #tpu.memory_space<semaphore_mem>>
        %dma_wait3A_435 = tpu.memref_squeeze %dma_wait3A_434 : memref<1x!tpu.dma_semaphore, #tpu.memory_space<semaphore_mem>> -> memref<!tpu.dma_semaphore, #tpu.memory_space<semaphore_mem>>
        %dma_wait3A_436 = arith.constant 0 : i32
        %dma_wait3A_437 = arith.constant 0 : i32
        %dma_wait3A_438 = tpu.memref_slice %arg5[%add3A_423, %dma_wait3A_436, %dma_wait3A_437] : memref<4096x200x64xf32, #tpu.memory_space<hbm>> -> memref<1x200x64xf32, #tpu.memory_space<hbm>>
        %dma_wait3A_439 = tpu.memref_squeeze %dma_wait3A_438 : memref<1x200x64xf32, #tpu.memory_space<hbm>> -> memref<200x64xf32, #tpu.memory_space<hbm>>
        %dma_wait3A_440 = arith.constant 0 : i32
        %dma_wait3A_441 = arith.constant 0 : i32
        %dma_wait3A_442 = tpu.memref_slice %arg8[%dma_wait3A_424, %dma_wait3A_440, %dma_wait3A_441] : memref<4x200x64xf32, #tpu.memory_space<vmem>> -> memref<1x200x64xf32, #tpu.memory_space<vmem>>
        %dma_wait3A_443 = tpu.memref_squeeze %dma_wait3A_442 : memref<1x200x64xf32, #tpu.memory_space<vmem>> -> memref<200x64xf32, #tpu.memory_space<vmem>>
        tpu.wait_dma2 semaphore(%dma_wait3A_435 : memref<!tpu.dma_semaphore, #tpu.memory_space<semaphore_mem>>) src(%dma_wait3A_443 : memref<200x64xf32, #tpu.memory_space<vmem>>) dst(%dma_wait3A_439 : memref<200x64xf32, #tpu.memory_space<hbm>>)
      } else {
      }
      %add3A_415 = arith.constant 2 : i32
      %add3A_416 = arith.addi %add3A_350, %add3A_415 : i32
      %lt3A_417 = arith.constant 128 : i32
      %lt3A_418 = arith.cmpi slt, %add3A_416, %lt3A_417 : i32
      %convert_element_type3A_419 = arith.extui %lt3A_418 : i1 to i32
      %cond3A_420 = arith.constant 0 : i32
      %cond3A_421 = arith.cmpi ne, %convert_element_type3A_419, %cond3A_420 : i32
      scf.if %cond3A_421 {
        %add3A_422 = arith.constant 2 : i32
        %add3A_423 = arith.addi %add3A_350, %add3A_422 : i32
        %mul3A_424 = arith.constant 208 : i32
        %mul3A_425 = arith.muli %add3A_423, %mul3A_424 : i32
        %add3A_426 = arith.constant 104 : i32
        %add3A_427 = arith.addi %mul3A_425, %add3A_426 : i32
        %dma_start3A_428 = arith.constant 1 : i32
        %dma_start3A_429 = arith.constant 1 : i32
        %dma_start3A_430 = arith.constant 0 : i32
        %dma_start3A_431 = arith.constant 0 : i32
        %dma_start3A_432 = tpu.memref_slice %arg8[%dma_start3A_428, %dma_start3A_430, %dma_start3A_431] : memref<4x200x64xf32, #tpu.memory_space<vmem>> -> memref<1x104x64xf32, #tpu.memory_space<vmem>>
        %dma_start3A_433 = tpu.memref_squeeze %dma_start3A_432 : memref<1x104x64xf32, #tpu.memory_space<vmem>> -> memref<104x64xf32, #tpu.memory_space<vmem>>
        %dma_start3A_434 = tpu.memref_slice %arg7[%mul3A_425] : memref<26624xi32, #tpu.memory_space<vmem>> -> memref<104xi32, #tpu.memory_space<vmem>>
        %dma_start3A_435 = arith.constant 0 : i32
        %dma_start3A_436 = arith.constant 0 : i32
        %dma_start3A_437 = tpu.memref_slice %arg3[%dma_start3A_435, %dma_start3A_436] : memref<1000000x64xf32, #tpu.memory_space<hbm>> -> memref<1000000x64xf32, #tpu.memory_space<hbm>>
        %dma_start3A_438 = tpu.memref_slice %arg11[%dma_start3A_429] : memref<4x!tpu.dma_semaphore, #tpu.memory_space<semaphore_mem>> -> memref<1x!tpu.dma_semaphore, #tpu.memory_space<semaphore_mem>>
        %dma_start3A_439 = tpu.memref_squeeze %dma_start3A_438 : memref<1x!tpu.dma_semaphore, #tpu.memory_space<semaphore_mem>> -> memref<!tpu.dma_semaphore, #tpu.memory_space<semaphore_mem>>
        tpu.enqueue_indirect_dma source(%dma_start3A_437 : memref<1000000x64xf32, #tpu.memory_space<hbm>>) target(%dma_start3A_433 : memref<104x64xf32, #tpu.memory_space<vmem>>) offsets(%dma_start3A_434 : memref<104xi32, #tpu.memory_space<vmem>>) semaphore(%dma_start3A_439 : memref<!tpu.dma_semaphore, #tpu.memory_space<semaphore_mem>>)
        %dma_start3A_440 = arith.constant 1 : i32
        %dma_start3A_441 = arith.constant 1 : i32
        %dma_start3A_442 = arith.constant 104 : i32
        %dma_start3A_443 = arith.constant 0 : i32
        %dma_start3A_444 = tpu.memref_slice %arg8[%dma_start3A_440, %dma_start3A_442, %dma_start3A_443] : memref<4x200x64xf32, #tpu.memory_space<vmem>> -> memref<1x96x64xf32, #tpu.memory_space<vmem>>
        %dma_start3A_445 = tpu.memref_squeeze %dma_start3A_444 : memref<1x96x64xf32, #tpu.memory_space<vmem>> -> memref<96x64xf32, #tpu.memory_space<vmem>>
        %dma_start3A_446 = tpu.memref_slice %arg7[%add3A_427] : memref<26624xi32, #tpu.memory_space<vmem>> -> memref<96xi32, #tpu.memory_space<vmem>>
        %dma_start3A_447 = arith.constant 0 : i32
        %dma_start3A_448 = arith.constant 0 : i32
        %dma_start3A_449 = tpu.memref_slice %arg3[%dma_start3A_447, %dma_start3A_448] : memref<1000000x64xf32, #tpu.memory_space<hbm>> -> memref<1000000x64xf32, #tpu.memory_space<hbm>>
        %dma_start3A_450 = tpu.memref_slice %arg11[%dma_start3A_441] : memref<4x!tpu.dma_semaphore, #tpu.memory_space<semaphore_mem>> -> memref<1x!tpu.dma_semaphore, #tpu.memory_space<semaphore_mem>>
        %dma_start3A_451 = tpu.memref_squeeze %dma_start3A_450 : memref<1x!tpu.dma_semaphore, #tpu.memory_space<semaphore_mem>> -> memref<!tpu.dma_semaphore, #tpu.memory_space<semaphore_mem>>
        tpu.enqueue_indirect_dma source(%dma_start3A_449 : memref<1000000x64xf32, #tpu.memory_space<hbm>>) target(%dma_start3A_445 : memref<96x64xf32, #tpu.memory_space<vmem>>) offsets(%dma_start3A_446 : memref<96xi32, #tpu.memory_space<vmem>>) semaphore(%dma_start3A_451 : memref<!tpu.dma_semaphore, #tpu.memory_space<semaphore_mem>>)
      } else {
      }
    }
    %scan3A_81 = arith.constant 32 : i32
    %add3A_82 = arith.constant 126 : i32
    %add3A_83 = arith.addi %mul3A_2, %add3A_82 : i32
    %dma_wait3A_84 = arith.constant 2 : i32
    %dma_wait3A_85 = arith.constant 2 : i32
    %dma_wait3A_86 = arith.constant 0 : i32
    %dma_wait3A_87 = arith.constant 0 : i32
    %dma_wait3A_88 = tpu.memref_slice %arg8[%dma_wait3A_84, %dma_wait3A_86, %dma_wait3A_87] : memref<4x200x64xf32, #tpu.memory_space<vmem>> -> memref<1x200x64xf32, #tpu.memory_space<vmem>>
    %dma_wait3A_89 = tpu.memref_squeeze %dma_wait3A_88 : memref<1x200x64xf32, #tpu.memory_space<vmem>> -> memref<200x64xf32, #tpu.memory_space<vmem>>
    %dma_wait3A_90 = arith.constant 0 : i32
    %dma_wait3A_91 = arith.constant 0 : i32
    %dma_wait3A_92 = tpu.memref_slice %arg5[%add3A_83, %dma_wait3A_90, %dma_wait3A_91] : memref<4096x200x64xf32, #tpu.memory_space<hbm>> -> memref<1x200x64xf32, #tpu.memory_space<hbm>>
    %dma_wait3A_93 = tpu.memref_squeeze %dma_wait3A_92 : memref<1x200x64xf32, #tpu.memory_space<hbm>> -> memref<200x64xf32, #tpu.memory_space<hbm>>
    %dma_wait3A_94 = tpu.memref_slice %arg12[%dma_wait3A_85] : memref<4x!tpu.dma_semaphore, #tpu.memory_space<semaphore_mem>> -> memref<1x!tpu.dma_semaphore, #tpu.memory_space<semaphore_mem>>
    %dma_wait3A_95 = tpu.memref_squeeze %dma_wait3A_94 : memref<1x!tpu.dma_semaphore, #tpu.memory_space<semaphore_mem>> -> memref<!tpu.dma_semaphore, #tpu.memory_space<semaphore_mem>>
    %dma_wait3A_96 = arith.constant 0 : i32
    %dma_wait3A_97 = arith.constant 0 : i32
    %dma_wait3A_98 = tpu.memref_slice %arg5[%add3A_83, %dma_wait3A_96, %dma_wait3A_97] : memref<4096x200x64xf32, #tpu.memory_space<hbm>> -> memref<1x200x64xf32, #tpu.memory_space<hbm>>
    %dma_wait3A_99 = tpu.memref_squeeze %dma_wait3A_98 : memref<1x200x64xf32, #tpu.memory_space<hbm>> -> memref<200x64xf32, #tpu.memory_space<hbm>>
    %dma_wait3A_100 = arith.constant 0 : i32
    %dma_wait3A_101 = arith.constant 0 : i32
    %dma_wait3A_102 = tpu.memref_slice %arg8[%dma_wait3A_84, %dma_wait3A_100, %dma_wait3A_101] : memref<4x200x64xf32, #tpu.memory_space<vmem>> -> memref<1x200x64xf32, #tpu.memory_space<vmem>>
    %dma_wait3A_103 = tpu.memref_squeeze %dma_wait3A_102 : memref<1x200x64xf32, #tpu.memory_space<vmem>> -> memref<200x64xf32, #tpu.memory_space<vmem>>
    tpu.wait_dma2 semaphore(%dma_wait3A_95 : memref<!tpu.dma_semaphore, #tpu.memory_space<semaphore_mem>>) src(%dma_wait3A_103 : memref<200x64xf32, #tpu.memory_space<vmem>>) dst(%dma_wait3A_99 : memref<200x64xf32, #tpu.memory_space<hbm>>)
    %add3A_104 = arith.constant 127 : i32
    %add3A_105 = arith.addi %mul3A_2, %add3A_104 : i32
    %dma_wait3A_106 = arith.constant 3 : i32
    %dma_wait3A_107 = arith.constant 3 : i32
    %dma_wait3A_108 = arith.constant 0 : i32
    %dma_wait3A_109 = arith.constant 0 : i32
    %dma_wait3A_110 = tpu.memref_slice %arg8[%dma_wait3A_106, %dma_wait3A_108, %dma_wait3A_109] : memref<4x200x64xf32, #tpu.memory_space<vmem>> -> memref<1x200x64xf32, #tpu.memory_space<vmem>>
    %dma_wait3A_111 = tpu.memref_squeeze %dma_wait3A_110 : memref<1x200x64xf32, #tpu.memory_space<vmem>> -> memref<200x64xf32, #tpu.memory_space<vmem>>
    %dma_wait3A_112 = arith.constant 0 : i32
    %dma_wait3A_113 = arith.constant 0 : i32
    %dma_wait3A_114 = tpu.memref_slice %arg5[%add3A_105, %dma_wait3A_112, %dma_wait3A_113] : memref<4096x200x64xf32, #tpu.memory_space<hbm>> -> memref<1x200x64xf32, #tpu.memory_space<hbm>>
    %dma_wait3A_115 = tpu.memref_squeeze %dma_wait3A_114 : memref<1x200x64xf32, #tpu.memory_space<hbm>> -> memref<200x64xf32, #tpu.memory_space<hbm>>
    %dma_wait3A_116 = tpu.memref_slice %arg12[%dma_wait3A_107] : memref<4x!tpu.dma_semaphore, #tpu.memory_space<semaphore_mem>> -> memref<1x!tpu.dma_semaphore, #tpu.memory_space<semaphore_mem>>
    %dma_wait3A_117 = tpu.memref_squeeze %dma_wait3A_116 : memref<1x!tpu.dma_semaphore, #tpu.memory_space<semaphore_mem>> -> memref<!tpu.dma_semaphore, #tpu.memory_space<semaphore_mem>>
    %dma_wait3A_118 = arith.constant 0 : i32
    %dma_wait3A_119 = arith.constant 0 : i32
    %dma_wait3A_120 = tpu.memref_slice %arg5[%add3A_105, %dma_wait3A_118, %dma_wait3A_119] : memref<4096x200x64xf32, #tpu.memory_space<hbm>> -> memref<1x200x64xf32, #tpu.memory_space<hbm>>
    %dma_wait3A_121 = tpu.memref_squeeze %dma_wait3A_120 : memref<1x200x64xf32, #tpu.memory_space<hbm>> -> memref<200x64xf32, #tpu.memory_space<hbm>>
    %dma_wait3A_122 = arith.constant 0 : i32
    %dma_wait3A_123 = arith.constant 0 : i32
    %dma_wait3A_124 = tpu.memref_slice %arg8[%dma_wait3A_106, %dma_wait3A_122, %dma_wait3A_123] : memref<4x200x64xf32, #tpu.memory_space<vmem>> -> memref<1x200x64xf32, #tpu.memory_space<vmem>>
    %dma_wait3A_125 = tpu.memref_squeeze %dma_wait3A_124 : memref<1x200x64xf32, #tpu.memory_space<vmem>> -> memref<200x64xf32, #tpu.memory_space<vmem>>
    tpu.wait_dma2 semaphore(%dma_wait3A_117 : memref<!tpu.dma_semaphore, #tpu.memory_space<semaphore_mem>>) src(%dma_wait3A_125 : memref<200x64xf32, #tpu.memory_space<vmem>>) dst(%dma_wait3A_121 : memref<200x64xf32, #tpu.memory_space<hbm>>)
    return
  }
}

</mosaic_0001>

<sc_bundles>
// kernel: kernel.3.cloned.1.call-start
scs
__scs_entry_jumppad:
0x0: {  	(pc) =	sbr.rel $0x88, $3  }
0x1: {  	(tag) =	ssettag $0x0;
	lr =	simm.s32 $0x1  }
0x2: {  	[smem:$0x3F9F] =	sst lr;
	_ =	strace $0xD0000000  }
0x3: {  	_ = 	snop  }
0x4: {  	_ = 	snop  }
0x5: {  	_ = 	snop  }
0x6: {  	_ = 	snop  }
0x7: {  	_ = 	snop  }
__scs_overlays_trampoline_lowered:
0x8: {  	[smem:$0x3FAE] =	sst s0  }
0x9: {  	[smem:$0x3FAF] =	sst s1  }
0xa: {  	[smem:$0x3FB0] =	sst s2  }
0xb: {  	[smem:$0x3FB1] =	sst s3  }
0xc: {  	[smem:$0x3FB2] =	sst s4  }
0xd: {  	[smem:$0x3FB3] =	sst s5  }
0xe: {  	[smem:$0x3FB4] =	sst s6  }
0xf: {  	[smem:$0x3FB5] =	sst s7  }
0x10: {  	[smem:$0x3FB6] =	sst s8  }
0x11: {  	[smem:$0x3FB7] =	sst s9;
	s0 =	simm.s32 @!p0 $0x0  }
0x12: {  	s1 =	sld [smem:$0x3F9D];
	s0 =	simm.s32 @p0 $0x1  }
0x13: {  	[smem:$0x3FB8] =	sst s0;
	s0 =	simm.s32 @!p1 $0x0  }
0x14: {  	s2 =	sld [smem:$0x3F9C];
	s0 =	simm.s32 @p1 $0x1  }
0x15: {  	[smem:$0x3FB9] =	sst s0;
	s0 =	simm.s32 @!p2 $0x0  }
0x16: {  	s3 =	sld [smem:$0x3FDB];
	s0 =	simm.s32 @p2 $0x1  }
0x17: {  	s4 =	simm.s32 $0x1BF5;
	[smem:$0x3FBB] =	sst s0  }
0x18: {  	s0 =	sld [smem:$0x3F9E];
	_ =	swait.ge [sflag:s4], $0x0  }
0x19: {  	s7 =	sld [smem:$0x3F9F]  }
0x1a: {  	s8 =	sadd.s32 $0xFFFFE003, lr  }
0x1b: {  	s9 =	sadd.s32 $0xFFFFFEF7, lr;
	s5 =	simm.s32 $0xFFFFFFFF;
	p2 =	slt.u32 s8, $0xFFFFF086  }
0x1c: {  	p1 =	slt.u32 s9, $0xF7A;
	s5 =	simm.s32 @!p2 $0x0  }
0x1d: {  	s5 =	simm.s32 @p1 $0x1;
	p0 =	seq.s32 s7, s2  }
0x1e: {  	s7 =	smul.u32 @!p0 $0xF7A, s2;
	p2 =	seq.s32 @!p0 s5, $0x0  }
0x1f: {  	s9 =	smul.u32 $0xF7A, s1;
	s8 =	simm.s32 @!p0 $0x1BF5;
	p2 =	por !p2, p0  }
0x20: {  	[sflag:s8] =	ssyncset.s32 @!p0 $0xFFFFF086;
	s6 =	sadd.s32 @!p0 s3, s7;
	s7 =	simm.s32 @!p0 $0x108  }
0x21: {  	s3 =	sadd.s32 s3, s9;
	s6 =	sadd.s32 @!p0 $0x88, s6;
	s7 =	simm.s32 @p2 $0x1082  }
0x22: {  	[simem:s7], [sflag:s8] =	dma.local @!p0 [hbm:s6], $0xF7A  }
0x23: {  	s9 =	sor.u32 $0xD0000000, s2;
	s6 =	simm.s32 $0x108;
	_ =	swait.ge @!p0 [sflag:s8], $0x0  }
0x24: {  	s3 =	sadd.s32 $0x88, s3;
	s6 =	simm.s32 @!p1 $0x1082;
	[sflag:s4] =	ssyncset.s32 $0xFFFFF086  }
0x25: {  	[simem:s6], [sflag:s4] =	dma.local [hbm:s3], $0xF7A  }
0x26: {  	[smem:$0x3F9F] =	sst s1;
	(tag) =	ssettag s2;
	_ =	strace s9  }
0x27: {  	s1 =	sld [smem:$0x3FAF]  }
0x28: {  	s2 =	sld [smem:$0x3FB0]  }
0x29: {  	s4 =	sld [smem:$0x3FB2]  }
0x2a: {  	p0 =	seq.s32 s5, $0x0;
	s5 =	sld [smem:$0x3FB3]  }
0x2b: {  	s6 =	sld [smem:$0x3FB4]  }
0x2c: {  	s7 =	sld [smem:$0x3FB5]  }
0x2d: {  	s3 =	simm.s32 $0x108;
	s8 =	sld [smem:$0x3FB6]  }
0x2e: {  	s3 =	simm.s32 @!p0 $0x1082;
	s9 =	sld [smem:$0x3FB7]  }
0x2f: {  	lr =	sadd.s32 s0, s3;
	s0 =	sld [smem:$0x3FAE]  }
0x30: {  	s3 =	sld [smem:$0x3FB1]  }
0x31: {  	[smem:$0x3FBA] =	sst s10  }
0x32: {  	s10 =	sld [smem:$0x3FB8];
	_ =	sdelay $0x3  }
0x33: {  	p0 =	seq.s32 s10, $0x1;
	s10 =	sld [smem:$0x3FBA];
	_ =	sdelay $0x3  }
0x34: {  	[smem:$0x3FBA] =	sst s10  }
0x35: {  	s10 =	sld [smem:$0x3FB9];
	_ =	sdelay $0x3  }
0x36: {  	p1 =	seq.s32 s10, $0x1;
	s10 =	sld [smem:$0x3FBA];
	_ =	sdelay $0x3  }
0x37: {  	[smem:$0x3FBA] =	sst s10  }
0x38: {  	s10 =	sld [smem:$0x3FBB]  }
0x39: {  	_ = 	snop;
	(pc) =	sbr.ind lr, $3  }
0x3a: {  	_ = 	snop  }
0x3b: {  	_ = 	snop  }
0x3c: {  	p2 =	seq.s32 s10, $0x1;
	s10 =	sld [smem:$0x3FBA]  }
0x3d: {  	_ =	shalt  }
0x3e: {  	_ =	shalt  }
0x3f: {  	_ =	shalt  }
0x40: {  	_ =	shalt  }
0x41: {  	_ =	shalt  }
0x42: {  	_ =	shalt  }
0x43: {  	_ =	shalt  }
0x44: {  	_ =	shalt  }
0x45: {  	_ =	shalt  }
0x46: {  	_ =	shalt  }
0x47: {  	_ =	shalt  }
0x48: {  	_ =	shalt  }
0x49: {  	_ =	shalt  }
0x4a: {  	_ =	shalt  }
0x4b: {  	_ =	shalt  }
0x4c: {  	_ =	shalt  }
0x4d: {  	_ =	shalt  }
0x4e: {  	_ =	shalt  }
0x4f: {  	_ =	shalt  }
0x50: {  	_ =	shalt  }
0x51: {  	_ =	shalt  }
0x52: {  	_ =	shalt  }
0x53: {  	_ =	shalt  }
0x54: {  	_ =	shalt  }
0x55: {  	_ =	shalt  }
0x56: {  	_ =	shalt  }
0x57: {  	_ =	shalt  }
0x58: {  	_ =	shalt  }
0x59: {  	_ =	shalt  }
0x5a: {  	_ =	shalt  }
0x5b: {  	_ =	shalt  }
0x5c: {  	_ =	shalt  }
0x5d: {  	_ =	shalt  }
0x5e: {  	_ =	shalt  }
0x5f: {  	_ =	shalt  }
0x60: {  	_ =	shalt  }
0x61: {  	_ =	shalt  }
0x62: {  	_ =	shalt  }
0x63: {  	_ =	shalt  }
0x64: {  	_ =	shalt  }
0x65: {  	_ =	shalt  }
0x66: {  	_ =	shalt  }
0x67: {  	_ =	shalt  }
0x68: {  	_ =	shalt  }
0x69: {  	_ =	shalt  }
0x6a: {  	_ =	shalt  }
0x6b: {  	_ =	shalt  }
0x6c: {  	_ =	shalt  }
0x6d: {  	_ =	shalt  }
0x6e: {  	_ =	shalt  }
0x6f: {  	_ =	shalt  }
0x70: {  	_ =	shalt  }
0x71: {  	_ =	shalt  }
0x72: {  	_ =	shalt  }
0x73: {  	_ =	shalt  }
0x74: {  	_ =	shalt  }
0x75: {  	_ =	shalt  }
0x76: {  	_ =	shalt  }
0x77: {  	_ =	shalt  }
0x78: {  	_ =	shalt  }
0x79: {  	_ =	shalt  }
0x7a: {  	_ =	shalt  }
0x7b: {  	_ =	shalt  }
0x7c: {  	_ =	shalt  }
0x7d: {  	_ =	shalt  }
0x7e: {  	_ =	shalt  }
0x7f: {  	_ =	shalt  }
0x80: {  	_ =	shalt  }
0x81: {  	_ =	shalt  }
0x82: {  	_ =	shalt  }
0x83: {  	_ =	shalt  }
0x84: {  	_ =	shalt  }
0x85: {  	_ =	shalt  }
0x86: {  	_ =	shalt  }
0x87: {  	_ =	shalt  }
.Lfunc_end0:
.L_simem_size_0:
called_computation.1_lowered:
.L_overlay_start_0:
0x88: {  	s2 =	sld [smem:$0x3FD9]  }
0x89: {  	s3 =	sld [smem:$0x3FFE];
	_ =	sdelay $0x1  }
0x8a: {  	s1 =	srdreg.scid  }
0x8b: {  	s0 =	sand.u32 $0x1, s1  }
0x8c: {  	s17 =	sshll.u32 s0, $0xA;
	s2 =	sadd.s32 s3, s2  }
0x8d: {  	s2 =	sadd.s32 s2, s17  }
0x8e: {  	[smem:$0x3FC6] =	sst s2  }
0x8f: {  	_ = 	snop  }
0x90: {  	s2 =	sld [smem:$0x3FC9]  }
0x91: {  	s18 =	sld [smem:$0x3FD0];
	(tm) =	ssettm $0x1  }
0x92: {  	s4 =	sld [smem:$0x3FFB];
	_ =	sdelay $0x3  }
0x93: {  	_ =	strace s4  }
0x94: {  	s4 =	sld [smem:$0x3FFC];
	_ =	sdelay $0x3  }
0x95: {  	_ =	strace s4  }
0x96: {  	s4 =	sld [smem:$0x3FFD];
	_ =	sdelay $0x3  }
0x97: {  	_ =	strace s4  }
0x98: {  	_ =	strace $0x8FFFFFFF  }
0x99: {  	s19 =	sld [smem:$0x3FDB];
	_ =	sdelay $0x1  }
0x9a: {  	s5 =	simm.s32 $_scs_section_size  }
0x9b: {  	s6 =	simm.s32 $_size__tile_overlayer_lowered;
	s7 =	simm.s32 $_tile_overlayer_lowered  }
0x9c: {  	s22 =	simm.s32 $0x1BFF;
	s21 =	sshll.u32 s7, $0x1;
	s4 =	sadd.s32 s5, s19  }
0x9d: {  	s8 =	simm.s32 $0x0;
	s20 =	sshll.u32 s6, $0x1;
	s6 =	sadd.s32 s21, s4  }
0x9e: {  	[timem:s8], [sflag:s22] =	dma.local [hbm:s6], s20  }
0x9f: {  	_ =	swait.ge [sflag:s22], s20  }
0xa0: {  	s5 =	ssub.s32 $0x0, s20;
	[sflag:s22] =	ssyncset.done $0x0  }
0xa1: {  	[sflag:s22] =	ssyncadd.s32 s5;
	_ =	sdelay $0x1  }
0xa2: {  	s23 =	simm.s32 $0x1B8B  }
0xa3: {  	_ =	swait.ge [sflag:s23], $0x1  }
0xa4: {  	[sflag:s23] =	ssyncset.done $0x0  }
0xa5: {  	s25 =	simm.s32 $0x1B8E;
	s24 =	sld [smem:$0x3FFE];
	[sflag:s23] =	ssyncadd.s32 $0xFFFFFFFF  }
0xa6: {  	s26 =	simm.s32 $execute0_lowered;
	[smem:$0x3FD2] =	sst s25  }
0xa7: {  	s6 =	sshll.u32 s26, $0x1;
	_ =	strace $0x80000046;
	[dreg:$0x1] =	wrdreg $0xFFFFFFFF  }
0xa8: {  	s28 =	simm.s32 $_size_execute0_lowered;
	s4 =	sadd.s32 s4, s6;
	[dreg:$0x0] =	wrdreg $0x0  }
0xa9: {  	s6 =	sshll.u32 s28, $0x1;
	[dreg:$0x2] =	wrdreg s4  }
0xaa: {  	[dreg:$0x3] =	wrdreg s6  }
0xab: {  	[dreg:$0x4] =	wrdreg $0xC0  }
0xac: {  	_ =	task [dreg:s8], $0x5FFFF  }
0xad: {  	[dreg:$0x1] =	wrdreg $0xFFFFFFFF  }
0xae: {  	[dreg:$0x0] =	wrdreg $0x60  }
0xaf: {  	[dreg:$0x2] =	wrdreg s2  }
0xb0: {  	[dreg:$0x3] =	wrdreg s24  }
0xb1: {  	[dreg:$0x4] =	wrdreg s18  }
0xb2: {  	[dreg:$0x5] =	wrdreg $0x9  }
0xb3: {  	_ =	task.clear_ibuf [dreg:s8], $0x6FFFF;
	_ =	strace $0x90000046  }
0xb4: {  	s29 =	simm.s32 $0x9;
	_ =	strace $0x80000048  }
0xb5: {  	_ =	swait.ge [sflag:s29], $0x1  }
0xb6: {  	[sflag:s29] =	ssyncadd.s32 $0xFFFFFFFF  }
0xb7: {  	_ =	strace $0x90000048  }
0xb8: {  	_ =	sfence  }
0xb9: {  	s30 =	sld [smem:$0x0];
	_ =	sdelay $0x2  }
0xba: {  	s31 =	sshll.u32 s1, $0xD;
	s1 =	sshrl.u32 s1, $0x2  }
0xbb: {  	s3 =	sand.u32 $0x4000, s31;
	s1 =	sadd.s32 s1, s30  }
0xbc: {  	s0 =	sor.u32 s3, s0;
	s1 =	sshll.u32 s1, $0x11  }
0xbd: {  	s0 =	sor.u32 s1, s0  }
0xbe: {  	s0 =	sadd.s32 $0x8F2B, s0  }
0xbf: {  	[sflag:s0] =	ssyncadd.remote.s32 $0x1  }
0xc0: {  	_ =	sfence.sel $0xFFFF  }
0xc1: {  	[dreg:$0x0] =	wrdreg $0xFFFFFFFF;
	(pc) =	sbr.abs _section_cstart, $3  }
0xc2: {  	[dreg:$0x1] =	wrdreg $0xFFFFFFFF  }
0xc3: {  	_ =	task.clear_ibuf [dreg:s8], $0x2FFFF;
	_ =	strace $0x9FFFFFFF  }
0xc4: {  	(tm) =	ssettm $0x7FFFFFFF  }
0xc5: {  	_ =	shalt  }
tec
execute0_lowered:
.L_overlay_start_1:
0x0: {  	(tag) =	ssettag $0x1  }
0x1: {  	s0 =	rddreg [dreg:$0x0]  }
0x2: {  	s3 =	rddreg [dreg:$0x1]  }
0x3: {  	s1 =	rddreg [dreg:$0x2]  }
0x4: {  	s2 =	simm.s32 $0x0;
	s4 =	srdreg.scid;
	s7 =	stileid.u32  }
0x5: {  	s12 =	simm.s32 $0xA;
	s13 =	simm.s32 $0x1;
	s14 =	simm.s32 $0x6400  }
0x6: {  	s15 =	simm.s32 $0x68;
	s16 =	simm.s32 $0xCC00;
	s17 =	simm.s32 $0x60  }
0x7: {  	s21 =	simm.s32 $0xFE00;
	s23 =	simm.s32 $0x11800;
	s24 =	simm.s32 $0x2  }
0x8: {  	s25 =	simm.s32 $0x13000;
	s26 =	simm.s32 $0x14A00;
	s28 =	simm.s32 $0x3  }
0x9: {  	s29 =	simm.s32 $0x16200;
	s30 =	simm.s32 $0x17C00;
	s31 =	simm.s32 $0x4  }
0xa: {  	s9 =	simm.s32 $0x9;
	s10 =	simm.s32 $0x7;
	s11 =	simm.s32 $0x0  }
0xb: {  	v0 =	vlaneseq.u32;
	[smem:$0x7FF] =	sst s2;
	s4 =	sand.u32 $0x1, s4;
	s7 =	sshll.u32 s7, $0x8  }
.Ltmp0:
0xc: {  	v0 =	vmul.u32 $0xD0, v0;
	_ =	strace $0x80000047;
	s5 =	ssub.s32 $0x2, s4;
	(pc) =	sbr.rel .LBB2_1-.Ltmp0, $4  }
0xd: {  	s8 =	sshll.u32 s4, $0x7;
	s4 =	sadd.s32 $0xF42E00, s3;
	s6 =	sshrl.u32 s5, $0x1  }
0xe: {  	s3 =	sadd.s32 $0xA00, s3;
	v1 =	vadd.s32 $0xD00, v0;
	s6 =	ssub.s32 s5, s6;
	s5 =	sor.u32 s8, s7  }
0xf: {  	[dreg:$0x4] =	wrdreg s3;
	v2 =	vadd.s32 $0x1A00, v0;
	v3 =	vadd.s32 $0x2700, v0;
	v4 =	vadd.s32 $0x3400, v0;
	s3 =	simm.s32 $0x8;
	s0 =	sadd.s32 s0, s5  }
0x10: {  	v5 =	vadd.s32 $0x4100, v0;
	v6 =	vadd.s32 $0x4E00, v0;
	v7 =	vadd.s32 $0x5B00, v0;
	s8 =	smax.u32 s6, $0x1;
	[dreg:$0x5] =	wrdreg s0;
	s0 =	simm.s32 $0x5  }
.LBB2_14:
0x11: {  	s11 =	sadd.s32 $0x1, s11  }
0x12: {  	_ =	swait.ge [sflag:s3], $0x3200;
	p0 =	sne.s32 s11, s8  }
.Ltmp1:
0x13: {  	[sflag:s3] =	ssyncset.done $0x0;
	(pc) =	sbr.rel @!p0 .LBB2_15-.Ltmp1, $4  }
0x14: {  	[sflag:s3] =	ssyncadd.s32 $0xFFFFCE00  }
0x15: {  	_ =	swait.ge [sflag:s9], $0x3200  }
0x16: {  	[sflag:s9] =	ssyncset.done $0x0  }
0x17: {  	[sflag:s9] =	ssyncadd.s32 $0xFFFFCE00  }
.LBB2_1:
0x18: {  	s6 =	rddreg [dreg:$0x5];
	s7 =	simm.s32 $0x400;
	s18 =	simm.s32 $0x8000  }
0x19: {  	[tilespmem:s2], [sflag:$0x1] =	stream.strided.gather [hbm4b:s6+s7], $0x6400, s18, s7, $0x38;
	[tilespmem:$0x1C600] =	vst v63  }
0x1a: {  	s20 =	rddreg [dreg:$0x4];
	s22 =	simm.s32 $0x19400  }
0x1b: {  	[tilespmem:s22], [sflag:$0xA] =	stream.linear.gather [hbm4b:s20+s2], $0x3200, $0x38;
	[tilespmem:$0x1C600] =	vst v63  }
0x1c: {  	_ =	swait.ge [sflag:s12], $0x3200  }
0x1d: {  	[sflag:s12] =	ssyncset.done $0x0  }
0x1e: {  	[sflag:s12] =	ssyncadd.s32 $0xFFFFCE00  }
0x1f: {  	_ =	swait.ge [sflag:s13], $0x6400  }
0x20: {  	[sflag:s13] =	ssyncset.done $0x0  }
0x21: {  	s18 =	simm.s32 $0x40;
	[sflag:s13] =	ssyncadd.s32 $0xFFFF9C00  }
0x22: {  	v9 =	vadd.s32 s2, v0;
	s19 =	simm.s32 $0x0;
	s20 =	simm.s32 $0x1;
	v8 =	vld [tilespmem:s18+$0xFFFFFFC0]  }
.LBB2_2:
0x23: {  	p0 =	sne.s32 s20, $0xC7;
	_ =	sdelay $0x3  }
0x24: {  	[tilespmem:v9+s14+$0x0] =	vst.idx.msk $0xffff, v8  }
0x25: {  	v9 =	vadd.s32 s19, v1;
	v8 =	vld [tilespmem:s18+$0xFFFFFFD0];
	_ =	sdelay $0x4  }
0x26: {  	[tilespmem:v9+s14+$0x0] =	vst.idx.msk $0xffff, v8  }
0x27: {  	v9 =	vadd.s32 s19, v2;
	v8 =	vld [tilespmem:s18+$0xFFFFFFE0];
	_ =	sdelay $0x4  }
0x28: {  	[tilespmem:v9+s14+$0x0] =	vst.idx.msk $0xffff, v8  }
0x29: {  	v9 =	vadd.s32 s19, v3;
	v8 =	vld [tilespmem:s18+$0xFFFFFFF0];
	_ =	sdelay $0x4  }
0x2a: {  	[tilespmem:v9+s14+$0x0] =	vst.idx.msk $0xffff, v8  }
0x2b: {  	v9 =	vadd.s32 s19, v4;
	v8 =	vld [tilespmem:s18+$0x0];
	_ =	sdelay $0x4  }
0x2c: {  	[tilespmem:v9+s14+$0x0] =	vst.idx.msk $0xffff, v8  }
0x2d: {  	v9 =	vadd.s32 s19, v5;
	v8 =	vld [tilespmem:s18+$0x10];
	_ =	sdelay $0x4  }
0x2e: {  	[tilespmem:v9+s14+$0x0] =	vst.idx.msk $0xffff, v8  }
0x2f: {  	v9 =	vadd.s32 s19, v6;
	v8 =	vld [tilespmem:s18+$0x20];
	_ =	sdelay $0x4  }
0x30: {  	[tilespmem:v9+s14+$0x0] =	vst.idx.msk $0xffff, v8  }
0x31: {  	v9 =	vadd.s32 s19, v7;
	s19 =	smov.u32 s20;
	v8 =	vld [tilespmem:s18+$0x30];
	_ =	sdelay $0x1  }
.Ltmp2:
0x32: {  	(pc) =	sbr.rel @p0 .LBB2_2-.Ltmp2, $3  }
0x33: {  	_ =	sdelay $0x1  }
0x34: {  	s18 =	sadd.s32 $0x80, s18;
	[tilespmem:v9+s14+$0x0] =	vst.idx.msk $0xffff, v8  }
0x35: {  	s20 =	sadd.s32 $0x1, s20;
	v9 =	vadd.s32 s19, v0;
	v8 =	vld [tilespmem:s18+$0xFFFFFFC0]  }
0x36: {  	_ =	sdelay $0x3  }
0x37: {  	[tilespmem:v9+s14+$0x0] =	vst.idx.msk $0xffff, v8  }
0x38: {  	v57 =	vadd.s32 s19, v1;
	v8 =	vld [tilespmem:s18+$0xFFFFFFD0];
	_ =	sdelay $0x4  }
0x39: {  	[tilespmem:v57+s14+$0x0] =	vst.idx.msk $0xffff, v8  }
0x3a: {  	v58 =	vadd.s32 s19, v2;
	v8 =	vld [tilespmem:s18+$0xFFFFFFE0];
	_ =	sdelay $0x4  }
0x3b: {  	[tilespmem:v58+s14+$0x0] =	vst.idx.msk $0xffff, v8  }
0x3c: {  	v59 =	vadd.s32 s19, v3;
	v8 =	vld [tilespmem:s18+$0xFFFFFFF0];
	_ =	sdelay $0x4  }
0x3d: {  	[tilespmem:v59+s14+$0x0] =	vst.idx.msk $0xffff, v8  }
0x3e: {  	v60 =	vadd.s32 s19, v4;
	v8 =	vld [tilespmem:s18+$0x0];
	_ =	sdelay $0x4  }
0x3f: {  	[tilespmem:v60+s14+$0x0] =	vst.idx.msk $0xffff, v8  }
0x40: {  	v61 =	vadd.s32 s19, v5;
	v8 =	vld [tilespmem:s18+$0x10];
	_ =	sdelay $0x4  }
0x41: {  	[tilespmem:v61+s14+$0x0] =	vst.idx.msk $0xffff, v8  }
0x42: {  	v62 =	vadd.s32 s19, v6;
	v8 =	vld [tilespmem:s18+$0x20];
	_ =	sdelay $0x4  }
0x43: {  	[tilespmem:v62+s14+$0x0] =	vst.idx.msk $0xffff, v8  }
0x44: {  	v63 =	vadd.s32 s19, v7;
	v8 =	vld [tilespmem:s18+$0x30];
	_ =	sdelay $0x4  }
0x45: {  	[tilespmem:v63+s14+$0x0] =	vst.idx.msk $0xffff, v8  }
0x46: {  	[tilespmem:s16], [sflag:$0x2] =	stream.indirect.gather [hbm4b:s4+s15], $0x40, s14, s15, $0xb8;
	[tilespmem:$0x1C600] =	vst v63  }
0x47: {  	s6 =	simm.s32 $0x6468;
	s7 =	simm.s32 $0xE600  }
0x48: {  	[tilespmem:s7], [sflag:$0x2] =	stream.indirect.gather [hbm4b:s4+s17], $0x40, s6, s17, $0xb8;
	[tilespmem:$0x1C600] =	vst v63  }
0x49: {  	s20 =	simm.s32 $0x64D0  }
0x4a: {  	[tilespmem:s21], [sflag:$0x3] =	stream.indirect.gather [hbm4b:s4+s15], $0x40, s20, s15, $0xb8;
	[tilespmem:$0x1C600] =	vst v63  }
0x4b: {  	s22 =	simm.s32 $0x6538;
	s18 =	simm.s32 $0x0  }
0x4c: {  	[tilespmem:s23], [sflag:$0x3] =	stream.indirect.gather [hbm4b:s4+s17], $0x40, s22, s17, $0xb8;
	[tilespmem:$0x1C600] =	vst v63  }
.LBB2_4:
0x4d: {  	_ =	swait.ge [sflag:s24], $0x1A00  }
0x4e: {  	[sflag:s24] =	ssyncset.done $0x0  }
0x4f: {  	[sflag:s24] =	ssyncadd.s32 $0xFFFFE600  }
0x50: {  	_ =	swait.ge [sflag:s24], $0x1800  }
0x51: {  	[sflag:s24] =	ssyncset.done $0x0  }
0x52: {  	s19 =	simm.s32 $0x0;
	[sflag:s24] =	ssyncadd.s32 $0xFFFFE800  }
0x53: {  	v9 =	vld [tilespmem:s19+$0x19430]  }
0x54: {  	v10 =	vld [tilespmem:s19+$0x19400]  }
0x55: {  	v11 =	vld [tilespmem:s19+$0x19410]  }
0x56: {  	v8 =	vld [tilespmem:s19+$0x19420];
	_ =	sdelay $0x1  }
0x57: {  	[tilespmem:s19+$0xCC30] =	vst.add.f32.msk $0xffff, v9  }
0x58: {  	[tilespmem:s19+$0xCC00] =	vst.add.f32.msk $0xffff, v10  }
0x59: {  	s20 =	simm.s32 $0x40;
	s6 =	simm.s32 $0x200;
	[tilespmem:s19+$0xCC10] =	vst.add.f32.msk $0xffff, v11  }
.LBB2_5:
0x5a: {  	p0 =	sne.s32 s6, $0xC700;
	v9 =	vld [tilespmem:s20+$0x19430];
	v10 =	vmov v8  }
0x5b: {  	v11 =	vld [tilespmem:s20+$0x19400]  }
0x5c: {  	v12 =	vld [tilespmem:s20+$0x19410]  }
.Ltmp3:
0x5d: {  	v8 =	vld [tilespmem:s20+$0x19420];
	(pc) =	sbr.rel @p0 .LBB2_5-.Ltmp3, $4  }
0x5e: {  	[tilespmem:s19+$0xCC20] =	vst.add.f32.msk $0xffff, v10;
	s19 =	smov.u32 s20  }
0x5f: {  	[tilespmem:s19+$0xCC30] =	vst.add.f32.msk $0xffff, v9  }
0x60: {  	[tilespmem:s19+$0xCC00] =	vst.add.f32.msk $0xffff, v11  }
0x61: {  	s20 =	sshra.s32 s6, $0x2;
	s6 =	sadd.s32 $0x100, s6;
	[tilespmem:s19+$0xCC10] =	vst.add.f32.msk $0xffff, v12  }
0x62: {  	v9 =	vld [tilespmem:s20+$0x19430]  }
0x63: {  	v10 =	vld [tilespmem:s20+$0x19400]  }
0x64: {  	v11 =	vld [tilespmem:s20+$0x19410]  }
0x65: {  	v12 =	vld [tilespmem:s20+$0x19420]  }
0x66: {  	[tilespmem:s19+$0xCC20] =	vst.add.f32.msk $0xffff, v8;
	s19 =	sshll.u32 s18, $0x2  }
0x67: {  	s6 =	sadd.s32 s5, s19;
	[tilespmem:s20+$0xCC30] =	vst.add.f32.msk $0xffff, v9  }
0x68: {  	s6 =	smul.u32 $0x640, s6;
	[tilespmem:s20+$0xCC00] =	vst.add.f32.msk $0xffff, v10  }
0x69: {  	[tilespmem:s20+$0xCC10] =	vst.add.f32.msk $0xffff, v11  }
0x6a: {  	p0 =	seq.s32 s18, $0x0;
	s6 =	sadd.s32 s1, s6;
	[tilespmem:s20+$0xCC20] =	vst.add.f32.msk $0xffff, v12;
	s20 =	sor.u32 $0x2, s19  }
0x6b: {  	[hbm4b:s6+s2] =	stream.linear.scatter [tilespmem:s16], [sflag:$0x6], $0x3200, $0x38;
	[tilespmem:$0x1C600] =	vst v63  }
0x6c: {  	s6 =	simm.s32 @!p0 $0x8;
	s7 =	smul.u32 $0x340, s20  }
0x6d: {  	_ =	swait.ge @!p0 [sflag:s6], $0x3200  }
0x6e: {  	[sflag:s6] =	ssyncset.done @!p0 $0x0;
	s7 =	sshra.s32 s7, $0x2  }
0x6f: {  	[sflag:s6] =	ssyncadd.s32 @!p0 $0xFFFFCE00;
	s22 =	sadd.s32 $0x6400, s7  }
0x70: {  	[tilespmem:s25], [sflag:$0x4] =	stream.indirect.gather [hbm4b:s4+s15], $0x40, s22, s15, $0xb8;
	[tilespmem:$0x1C600] =	vst v63  }
0x71: {  	s22 =	sadd.s32 $0x6468, s7  }
0x72: {  	[tilespmem:s26], [sflag:$0x4] =	stream.indirect.gather [hbm4b:s4+s17], $0x40, s22, s17, $0xb8;
	[tilespmem:$0x1C600] =	vst v63  }
0x73: {  	_ =	swait.ge [sflag:s28], $0x1A00  }
0x74: {  	[sflag:s28] =	ssyncset.done $0x0  }
0x75: {  	[sflag:s28] =	ssyncadd.s32 $0xFFFFE600  }
0x76: {  	_ =	swait.ge [sflag:s28], $0x1800  }
0x77: {  	[sflag:s28] =	ssyncset.done $0x0  }
0x78: {  	s22 =	simm.s32 $0x0;
	[sflag:s28] =	ssyncadd.s32 $0xFFFFE800  }
0x79: {  	v9 =	vld [tilespmem:s22+$0x19430]  }
0x7a: {  	v10 =	vld [tilespmem:s22+$0x19400]  }
0x7b: {  	v11 =	vld [tilespmem:s22+$0x19410]  }
0x7c: {  	v8 =	vld [tilespmem:s22+$0x19420];
	_ =	sdelay $0x1  }
0x7d: {  	[tilespmem:s22+$0xFE30] =	vst.add.f32.msk $0xffff, v9  }
0x7e: {  	[tilespmem:s22+$0xFE00] =	vst.add.f32.msk $0xffff, v10  }
0x7f: {  	s6 =	simm.s32 $0x40;
	s7 =	simm.s32 $0x200;
	[tilespmem:s22+$0xFE10] =	vst.add.f32.msk $0xffff, v11  }
.LBB2_7:
0x80: {  	p1 =	sne.s32 s7, $0xC700;
	v9 =	vld [tilespmem:s6+$0x19430];
	v10 =	vmov v8  }
0x81: {  	v11 =	vld [tilespmem:s6+$0x19400]  }
0x82: {  	v12 =	vld [tilespmem:s6+$0x19410]  }
.Ltmp4:
0x83: {  	v8 =	vld [tilespmem:s6+$0x19420];
	(pc) =	sbr.rel @p1 .LBB2_7-.Ltmp4, $4  }
0x84: {  	[tilespmem:s22+$0xFE20] =	vst.add.f32.msk $0xffff, v10;
	s22 =	smov.u32 s6  }
0x85: {  	[tilespmem:s22+$0xFE30] =	vst.add.f32.msk $0xffff, v9  }
0x86: {  	[tilespmem:s22+$0xFE00] =	vst.add.f32.msk $0xffff, v11  }
0x87: {  	s6 =	sshra.s32 s7, $0x2;
	s7 =	sadd.s32 $0x100, s7;
	[tilespmem:s22+$0xFE10] =	vst.add.f32.msk $0xffff, v12  }
0x88: {  	v9 =	vld [tilespmem:s6+$0x19430]  }
0x89: {  	v10 =	vld [tilespmem:s6+$0x19400]  }
0x8a: {  	v11 =	vld [tilespmem:s6+$0x19410]  }
0x8b: {  	v12 =	vld [tilespmem:s6+$0x19420]  }
0x8c: {  	[tilespmem:s22+$0xFE20] =	vst.add.f32.msk $0xffff, v8;
	s7 =	sadd.s32 s19, s5  }
0x8d: {  	s7 =	smul.u32 $0x640, s7;
	[tilespmem:s6+$0xFE30] =	vst.add.f32.msk $0xffff, v9  }
0x8e: {  	[tilespmem:s6+$0xFE00] =	vst.add.f32.msk $0xffff, v10  }
0x8f: {  	s19 =	sor.u32 $0x3, s19;
	s7 =	sadd.s32 s1, s7;
	[tilespmem:s6+$0xFE10] =	vst.add.f32.msk $0xffff, v11  }
0x90: {  	s22 =	smul.u32 $0x340, s19;
	s7 =	sadd.s32 $0x640, s7;
	[tilespmem:s6+$0xFE20] =	vst.add.f32.msk $0xffff, v12;
	s6 =	simm.s32 @!p0 $0x9  }
0x91: {  	[hbm4b:s7+s2] =	stream.linear.scatter [tilespmem:s21], [sflag:$0x7], $0x3200, $0x38;
	[tilespmem:$0x1C600] =	vst v63  }
0x92: {  	_ =	swait.ge @!p0 [sflag:s6], $0x3200  }
0x93: {  	s7 =	sshra.s32 s22, $0x2;
	[sflag:s6] =	ssyncset.done @!p0 $0x0  }
0x94: {  	s22 =	sadd.s32 $0x6400, s7;
	[sflag:s6] =	ssyncadd.s32 @!p0 $0xFFFFCE00  }
0x95: {  	[tilespmem:s29], [sflag:$0x5] =	stream.indirect.gather [hbm4b:s4+s15], $0x40, s22, s15, $0xb8;
	[tilespmem:$0x1C600] =	vst v63  }
0x96: {  	s22 =	sadd.s32 $0x6468, s7  }
0x97: {  	[tilespmem:s30], [sflag:$0x5] =	stream.indirect.gather [hbm4b:s4+s17], $0x40, s22, s17, $0xb8;
	[tilespmem:$0x1C600] =	vst v63  }
0x98: {  	_ =	swait.ge [sflag:s31], $0x1A00  }
0x99: {  	[sflag:s31] =	ssyncset.done $0x0  }
0x9a: {  	[sflag:s31] =	ssyncadd.s32 $0xFFFFE600  }
0x9b: {  	_ =	swait.ge [sflag:s31], $0x1800  }
0x9c: {  	[sflag:s31] =	ssyncset.done $0x0  }
0x9d: {  	s22 =	simm.s32 $0x0;
	[sflag:s31] =	ssyncadd.s32 $0xFFFFE800  }
0x9e: {  	v9 =	vld [tilespmem:s22+$0x19430]  }
0x9f: {  	v10 =	vld [tilespmem:s22+$0x19400]  }
0xa0: {  	v11 =	vld [tilespmem:s22+$0x19410]  }
0xa1: {  	v8 =	vld [tilespmem:s22+$0x19420];
	_ =	sdelay $0x1  }
0xa2: {  	[tilespmem:s22+$0x13030] =	vst.add.f32.msk $0xffff, v9  }
0xa3: {  	[tilespmem:s22+$0x13000] =	vst.add.f32.msk $0xffff, v10  }
0xa4: {  	s6 =	simm.s32 $0x40;
	s7 =	simm.s32 $0x200;
	[tilespmem:s22+$0x13010] =	vst.add.f32.msk $0xffff, v11  }
.LBB2_9:
0xa5: {  	p0 =	sne.s32 s7, $0xC700;
	v9 =	vld [tilespmem:s6+$0x19430];
	v10 =	vmov v8  }
0xa6: {  	v11 =	vld [tilespmem:s6+$0x19400]  }
0xa7: {  	v12 =	vld [tilespmem:s6+$0x19410]  }
.Ltmp5:
0xa8: {  	v8 =	vld [tilespmem:s6+$0x19420];
	(pc) =	sbr.rel @p0 .LBB2_9-.Ltmp5, $4  }
0xa9: {  	[tilespmem:s22+$0x13020] =	vst.add.f32.msk $0xffff, v10;
	s22 =	smov.u32 s6  }
0xaa: {  	[tilespmem:s22+$0x13030] =	vst.add.f32.msk $0xffff, v9  }
0xab: {  	[tilespmem:s22+$0x13000] =	vst.add.f32.msk $0xffff, v11  }
0xac: {  	s6 =	sshra.s32 s7, $0x2;
	s7 =	sadd.s32 $0x100, s7;
	[tilespmem:s22+$0x13010] =	vst.add.f32.msk $0xffff, v12  }
0xad: {  	v9 =	vld [tilespmem:s6+$0x19430]  }
0xae: {  	v10 =	vld [tilespmem:s6+$0x19400]  }
0xaf: {  	v11 =	vld [tilespmem:s6+$0x19410]  }
0xb0: {  	v12 =	vld [tilespmem:s6+$0x19420]  }
0xb1: {  	[tilespmem:s22+$0x13020] =	vst.add.f32.msk $0xffff, v8  }
0xb2: {  	s7 =	sadd.s32 s5, s20;
	[tilespmem:s6+$0x13030] =	vst.add.f32.msk $0xffff, v9  }
0xb3: {  	s7 =	smul.u32 $0x640, s7;
	[tilespmem:s6+$0x13000] =	vst.add.f32.msk $0xffff, v10  }
0xb4: {  	p0 =	seq.s32 s18, $0x1F;
	[tilespmem:s6+$0x13010] =	vst.add.f32.msk $0xffff, v11  }
0xb5: {  	s22 =	sadd.s32 s1, s7;
	[tilespmem:s6+$0x13020] =	vst.add.f32.msk $0xffff, v12;
	s6 =	simm.s32 @!p0 $0x6  }
0xb6: {  	[hbm4b:s22+s2] =	stream.linear.scatter [tilespmem:s25], [sflag:$0x8], $0x3200, $0x38;
	[tilespmem:$0x1C600] =	vst v63  }
0xb7: {  	s7 =	smul.u32 @!p0 $0xD00, s18;
	_ =	swait.ge @!p0 [sflag:s6], $0x3200  }
0xb8: {  	[sflag:s6] =	ssyncset.done @!p0 $0x0  }
0xb9: {  	[sflag:s6] =	ssyncadd.s32 @!p0 $0xFFFFCE00;
	s6 =	sshra.s32 @!p0 s7, $0x2  }
0xba: {  	s20 =	simm.s32 @!p0 $0x68;
	s22 =	simm.s32 @!p0 $0xCC00;
	s7 =	sadd.s32 @!p0 $0x6740, s6  }
0xbb: {  	[tilespmem:s22], [sflag:$0x2] =	stream.indirect.gather @!p0 [hbm4b:s4+s20], $0x40, s7, s20, $0xb8;
	[tilespmem:$0x1C600] =	vst v63  }
0xbc: {  	s6 =	sadd.s32 @!p0 $0x67A8, s6;
	s7 =	simm.s32 @!p0 $0x60;
	s20 =	simm.s32 @!p0 $0xE600  }
0xbd: {  	[tilespmem:s20], [sflag:$0x2] =	stream.indirect.gather @!p0 [hbm4b:s4+s7], $0x40, s6, s7, $0xb8;
	[tilespmem:$0x1C600] =	vst v63  }
0xbe: {  	_ =	swait.ge [sflag:s0], $0x1A00  }
0xbf: {  	[sflag:s0] =	ssyncset.done $0x0  }
0xc0: {  	[sflag:s0] =	ssyncadd.s32 $0xFFFFE600  }
0xc1: {  	_ =	swait.ge [sflag:s0], $0x1800  }
0xc2: {  	[sflag:s0] =	ssyncset.done $0x0  }
0xc3: {  	s20 =	simm.s32 $0x0;
	[sflag:s0] =	ssyncadd.s32 $0xFFFFE800  }
0xc4: {  	v9 =	vld [tilespmem:s20+$0x19430]  }
0xc5: {  	v10 =	vld [tilespmem:s20+$0x19400]  }
0xc6: {  	v11 =	vld [tilespmem:s20+$0x19410]  }
0xc7: {  	v8 =	vld [tilespmem:s20+$0x19420];
	_ =	sdelay $0x1  }
0xc8: {  	[tilespmem:s20+$0x16230] =	vst.add.f32.msk $0xffff, v9  }
0xc9: {  	[tilespmem:s20+$0x16200] =	vst.add.f32.msk $0xffff, v10  }
0xca: {  	s6 =	simm.s32 $0x40;
	s7 =	simm.s32 $0x200;
	[tilespmem:s20+$0x16210] =	vst.add.f32.msk $0xffff, v11  }
.LBB2_11:
0xcb: {  	p1 =	sne.s32 s7, $0xC700;
	v9 =	vld [tilespmem:s6+$0x19430];
	v10 =	vmov v8  }
0xcc: {  	v11 =	vld [tilespmem:s6+$0x19400]  }
0xcd: {  	v12 =	vld [tilespmem:s6+$0x19410]  }
.Ltmp6:
0xce: {  	v8 =	vld [tilespmem:s6+$0x19420];
	(pc) =	sbr.rel @p1 .LBB2_11-.Ltmp6, $4  }
0xcf: {  	[tilespmem:s20+$0x16220] =	vst.add.f32.msk $0xffff, v10;
	s20 =	smov.u32 s6  }
0xd0: {  	[tilespmem:s20+$0x16230] =	vst.add.f32.msk $0xffff, v9  }
0xd1: {  	[tilespmem:s20+$0x16200] =	vst.add.f32.msk $0xffff, v11  }
0xd2: {  	s6 =	sshra.s32 s7, $0x2;
	s7 =	sadd.s32 $0x100, s7;
	[tilespmem:s20+$0x16210] =	vst.add.f32.msk $0xffff, v12  }
0xd3: {  	v9 =	vld [tilespmem:s6+$0x19430]  }
0xd4: {  	v10 =	vld [tilespmem:s6+$0x19400]  }
0xd5: {  	v11 =	vld [tilespmem:s6+$0x19410]  }
0xd6: {  	v12 =	vld [tilespmem:s6+$0x19420]  }
0xd7: {  	[tilespmem:s20+$0x16220] =	vst.add.f32.msk $0xffff, v8  }
.Ltmp7:
0xd8: {  	s7 =	sadd.s32 s5, s19;
	[tilespmem:s6+$0x16230] =	vst.add.f32.msk $0xffff, v9;
	(pc) =	sbr.rel @p0 .LBB2_14-.Ltmp7, $4  }
0xd9: {  	s7 =	smul.u32 $0x640, s7;
	[tilespmem:s6+$0x16200] =	vst.add.f32.msk $0xffff, v10  }
0xda: {  	[tilespmem:s6+$0x16210] =	vst.add.f32.msk $0xffff, v11  }
0xdb: {  	s22 =	sadd.s32 s1, s7;
	[tilespmem:s6+$0x16220] =	vst.add.f32.msk $0xffff, v12  }
0xdc: {  	[hbm4b:s22+s2] =	stream.linear.scatter [tilespmem:s29], [sflag:$0x9], $0x3200, $0x38;
	[tilespmem:$0x1C600] =	vst v63  }
0xdd: {  	s6 =	smul.u32 $0xD00, s18  }
0xde: {  	_ =	swait.ge [sflag:s10], $0x3200  }
.Ltmp8:
0xdf: {  	[sflag:s10] =	ssyncset.done $0x0;
	s6 =	sshra.s32 s6, $0x2;
	(pc) =	sbr.rel .LBB2_4-.Ltmp8, $4  }
0xe0: {  	[sflag:s10] =	ssyncadd.s32 $0xFFFFCE00;
	s7 =	sadd.s32 $0x6810, s6  }
0xe1: {  	[tilespmem:s21], [sflag:$0x3] =	stream.indirect.gather [hbm4b:s4+s15], $0x40, s7, s15, $0xb8;
	[tilespmem:$0x1C600] =	vst v63  }
0xe2: {  	s18 =	sadd.s32 $0x1, s18;
	s6 =	sadd.s32 $0x6878, s6  }
0xe3: {  	[tilespmem:s23], [sflag:$0x3] =	stream.indirect.gather [hbm4b:s4+s17], $0x40, s6, s17, $0xb8;
	[tilespmem:$0x1C600] =	vst v63  }
.LBB2_15:
0xe4: {  	_ =	sfence.sel $0x180000  }
0xe5: {  	[bflag:$0x0] =	sbarrier.arrive $0xFFFF  }
0xe6: {  	_ =	strace $0x90000047  }
0xe7: {  	s0 =	stileid.u32;
	[bflag:$0x2] =	sbarrier.arrive $0xFFFF  }
0xe8: {  	p0 =	sne.s32 s0, $0x0;
	s0 =	rddreg [dreg:$0x3]  }
0xe9: {  	s0 =	sadd.s32 @!p0 $0x100000, s0  }
0xea: {  	[sflag:s0] =	ssyncadd.tile.s32 @!p0 $0x1;
	_ =	shalt  }
.Lfunc_end2:
_tile_overlayer_lowered:
.L_overlay_start_2:
0xeb: {  	(tag) =	ssettag $0x2  }
0xec: {  	s0 =	rddreg [dreg:$0x0];
	s2 =	stileid.u32  }
0xed: {  	s1 =	rddreg [dreg:$0x1];
	p0 =	sne.s32 s2, $0x0  }
0xee: {  	s3 =	rddreg [dreg:$0x2];
	[bflag:$0x3] =	sbarrier.arrive $0xFFFF;
	s2 =	simm.s32 @!p0 $0x1C0A  }
0xef: {  	[timem:s3], [sflag:s2] =	dma.local @!p0 [hbm:s0], s1  }
0xf0: {  	s0 =	simm.s32 @!p0 $0xA  }
0xf1: {  	_ =	swait.ge @!p0 [sflag:s0], s1  }
0xf2: {  	s1 =	ssub.s32 @!p0 $0x0, s1;
	[sflag:s0] =	ssyncset.done @!p0 $0x0  }
0xf3: {  	[sflag:s0] =	ssyncadd.s32 @!p0 s1  }
0xf4: {  	[bflag:$0x3] =	sbarrier.arrive $0xFFFF  }
0xf5: {  	_ =	shalt  }

// kernel: sparse-core-data-format-call.cloned.1.call-start
scs
called_computation_lowered:
.L_overlay_start_0:
0x0: {  	s2 =	sld [smem:$0x3FD9]  }
0x1: {  	s3 =	sld [smem:$0x3FFE];
	_ =	sdelay $0x1  }
0x2: {  	s1 =	srdreg.scid  }
0x3: {  	s0 =	sand.u32 $0x1, s1  }
0x4: {  	s18 =	sshll.u32 s0, $0xA;
	s2 =	sadd.s32 s3, s2  }
0x5: {  	s2 =	sadd.s32 s2, s18  }
0x6: {  	[smem:$0x3FC6] =	sst s2  }
0x7: {  	_ = 	snop  }
0x8: {  	s2 =	sld [smem:$0x3FD0];
	(tm) =	ssettm $0x1  }
0x9: {  	s19 =	sld [smem:$0x3FFB];
	_ =	sdelay $0x3  }
0xa: {  	_ =	strace s19  }
0xb: {  	s3 =	sld [smem:$0x3FFC];
	_ =	sdelay $0x3  }
0xc: {  	_ =	strace s3  }
0xd: {  	s3 =	sld [smem:$0x3FFD];
	_ =	sdelay $0x3  }
0xe: {  	_ =	strace s3  }
0xf: {  	_ =	strace $0x8FFFFFFF  }
0x10: {  	s20 =	sld [smem:$0x3FDB];
	_ =	sdelay $0x1  }
0x11: {  	s4 =	simm.s32 $_scs_section_size  }
0x12: {  	s5 =	simm.s32 $_size__tile_overlayer_lowered;
	s6 =	simm.s32 $_tile_overlayer_lowered  }
0x13: {  	s23 =	simm.s32 $0x1BFF;
	s22 =	sshll.u32 s6, $0x1;
	s3 =	sadd.s32 s4, s20  }
0x14: {  	s7 =	simm.s32 $0x0;
	s21 =	sshll.u32 s5, $0x1;
	s5 =	sadd.s32 s22, s3  }
0x15: {  	[timem:s7], [sflag:s23] =	dma.local [hbm:s5], s21  }
0x16: {  	_ =	swait.ge [sflag:s23], s21  }
0x17: {  	s4 =	ssub.s32 $0x0, s21;
	[sflag:s23] =	ssyncset.done $0x0  }
0x18: {  	[sflag:s23] =	ssyncadd.s32 s4;
	_ =	sdelay $0x1  }
0x19: {  	s24 =	simm.s32 $0x1B8B  }
0x1a: {  	_ =	swait.ge [sflag:s24], $0x1  }
0x1b: {  	[sflag:s24] =	ssyncset.done $0x0  }
0x1c: {  	s26 =	simm.s32 $0x1B8E;
	s25 =	sld [smem:$0x3FFE];
	[sflag:s24] =	ssyncadd.s32 $0xFFFFFFFF  }
0x1d: {  	s27 =	simm.s32 $execute0_lowered;
	[smem:$0x3FD2] =	sst s26  }
0x1e: {  	s5 =	sshll.u32 s27, $0x1;
	_ =	strace $0x80000049;
	[dreg:$0x1] =	wrdreg $0xFFFFFFFF  }
0x1f: {  	s28 =	simm.s32 $_size_execute0_lowered;
	s3 =	sadd.s32 s3, s5;
	[dreg:$0x0] =	wrdreg $0x0  }
0x20: {  	s5 =	sshll.u32 s28, $0x1;
	[dreg:$0x2] =	wrdreg s3  }
0x21: {  	[dreg:$0x3] =	wrdreg s5  }
0x22: {  	[dreg:$0x4] =	wrdreg $0xC0  }
0x23: {  	_ =	task [dreg:s7], $0x5FFFF  }
0x24: {  	[dreg:$0x1] =	wrdreg $0xFFFFFFFF  }
0x25: {  	[dreg:$0x0] =	wrdreg $0x60  }
0x26: {  	[dreg:$0x2] =	wrdreg s25  }
0x27: {  	[dreg:$0x3] =	wrdreg s2  }
0x28: {  	[dreg:$0x4] =	wrdreg $0x9  }
0x29: {  	_ =	task.clear_ibuf [dreg:s7], $0x5FFFF;
	_ =	strace $0x90000049  }
0x2a: {  	s29 =	simm.s32 $0x9;
	_ =	strace $0x8000004B  }
0x2b: {  	_ =	swait.ge [sflag:s29], $0x1  }
0x2c: {  	[sflag:s29] =	ssyncadd.s32 $0xFFFFFFFF  }
0x2d: {  	_ =	strace $0x9000004B  }
0x2e: {  	_ =	sfence  }
0x2f: {  	s30 =	sld [smem:$0x0];
	_ =	sdelay $0x2  }
0x30: {  	s31 =	sshll.u32 s1, $0xD;
	s1 =	sshrl.u32 s1, $0x2  }
0x31: {  	s3 =	sand.u32 $0x4000, s31;
	s1 =	sadd.s32 s1, s30  }
0x32: {  	s0 =	sor.u32 s3, s0;
	s1 =	sshll.u32 s1, $0x11  }
0x33: {  	s0 =	sor.u32 s1, s0  }
0x34: {  	s0 =	sadd.s32 $0x8F2B, s0  }
0x35: {  	[sflag:s0] =	ssyncadd.remote.s32 $0x1  }
0x36: {  	_ =	sfence.sel $0xFFFF  }
0x37: {  	[dreg:$0x0] =	wrdreg $0xFFFFFFFF;
	(pc) =	sbr.abs _section_cstart, $3  }
0x38: {  	[dreg:$0x1] =	wrdreg $0xFFFFFFFF  }
0x39: {  	_ =	task.clear_ibuf [dreg:s7], $0x2FFFF;
	_ =	strace $0x9FFFFFFF  }
0x3a: {  	(tm) =	ssettm $0x7FFFFFFF  }
0x3b: {  	_ =	shalt  }
tec
execute0_lowered:
.L_overlay_start_1:
0x0: {  	(tag) =	ssettag $0x1  }
0x1: {  	s0 =	srdreg.scid  }
0x2: {  	s1 =	sshll.u32 s0, $0x4  }
0x3: {  	s0 =	stileid.u32;
	s1 =	sand.u32 $0x10, s1  }
0x4: {  	s1 =	sor.u32 s0, s1  }
0x5: {  	s6 =	rddreg [dreg:$0x0];
	s4 =	simm.s32 $0x1;
	s2 =	sshll.u32 s1, $0x7  }
0x6: {  	s7 =	simm.s32 $0x2;
	s12 =	simm.s32 $0x0;
	s1 =	ssub.s32 $0x1000, s2  }
0x7: {  	s8 =	simm.s32 $0x8000;
	s13 =	simm.s32 $0x0;
	s3 =	sand.u32 $0xF80, s1  }
0x8: {  	s9 =	simm.s32 $0x0;
	s5 =	sshrl.u32 s1, $0xC;
	p0 =	sne.s32 s3, $0x0  }
.Ltmp0:
0x9: {  	s1 =	rddreg [dreg:$0x2];
	s4 =	simm.s32 @!p0 $0x0;
	(pc) =	sbr.rel .LBB1_1-.Ltmp0, $4  }
0xa: {  	s11 =	simm.s32 $0x0;
	s3 =	rddreg [dreg:$0x1];
	s5 =	sadd.s32 s4, s5  }
0xb: {  	_ =	strace $0x8000004A;
	s4 =	simm.s32 $0x1;
	s5 =	smul.u32 $0xC8, s5  }
0xc: {  	s6 =	sadd.s32 $0xA00, s6;
	s10 =	smov.u32 s2;
	[sflag:s4] =	ssyncpa.u1 $0x0  }
0xd: {  	p0 =	por $0x0, $0x0;
	[sflag:s7] =	ssyncpa.u1 $0x0;
	s7 =	sor.u32 $0x1, s5  }
.LBB1_4:
0xe: {  	s16 =	sshll.u32 s13, $0x3;
	s17 =	sand.u32 $0x78, s13  }
0xf: {  	s30 =	sand.u32 $0x7E00, s13;
	s12 =	sshll.u32 s12, $0xF;
	s16 =	sand.u32 $0xC00, s16  }
0x10: {  	[tilespmem:s15+$0x810 ss:$0x81] =	vst.msk $0xffff, v2;
	s31 =	sand.u32 $0x7, s13;
	s16 =	sor.u32 s17, s16;
	s17 =	sadd.s32 s3, s30  }
0x11: {  	[tilespmem:s15+$0x1020 ss:$0x81] =	vst.msk $0xffff, v0;
	s13 =	sshll.u32 s31, $0x12;
	s12 =	sadd.s32 s12, s17;
	s16 =	sshrl.u32 s16, $0x3  }
0x12: {  	[tilespmem:s15+$0x0 ss:$0x81] =	vst.msk $0xffff, v1;
	s13 =	sor.u32 $0x400, s13;
	s12 =	sadd.s32 s16, s12  }
0x13: {  	[hbm4b:s12+s13] =	stream.strided.scatter [tilespmem:s14], [sflag:$0x2], $0x2000, s8, s13, $0x20;
	[tilespmem:$0x8080] =	vst v63  }
.LBB1_5:
0x14: {  	s14 =	sadd.s32 $0x1, s9  }
0x15: {  	s12 =	sadd.s32 $0x1000, s10;
	s16 =	smov.u32 s10;
	p2 =	sgt.s32 s14, $0xC7  }
0x16: {  	s16 =	smov.u32 @p2 s12  }
0x17: {  	s14 =	simm.s32 @p2 $0x0;
	p2 =	sgt.s32 s16, $0xFFF  }
0x18: {  	s16 =	smov.u32 @p2 s2;
	p2 =	sne.s32 s11, s7  }
.Ltmp1:
0x19: {  	p1 =	slt.u32 s11, $0x2;
	(pc) =	sbr.rel @!p2 .LBB1_6-.Ltmp1, $4  }
0x1a: {  	s15 =	simm.s32 @!p1 $0x2  }
0x1b: {  	s13 =	smov.u32 s10;
	p0 =	por !p0, !p0;
	_ =	swait.ge @!p1 [sflag:s15], $0x2000  }
0x1c: {  	s12 =	smov.u32 s9;
	[sflag:s15] =	ssyncset.done @!p1 $0x0;
	s9 =	smov.u32 s14  }
0x1d: {  	s11 =	sadd.s32 $0x1, s11;
	[sflag:s15] =	ssyncadd.s32 @!p1 $0xFFFFE000;
	s10 =	smov.u32 s16  }
.LBB1_1:
0x1e: {  	p1 =	sge.u32 s11, s5  }
0x1f: {  	s14 =	sand.u32 @!p1 $0x1FFFFFF, s9  }
0x20: {  	s15 =	smulhi.u32 @!p1 $0x147AE15, s14;
	_ =	sdelay $0x1  }
0x21: {  	s15 =	smul.u32 @!p1 $0xC8, s15  }
0x22: {  	s16 =	sxor.u32 @!p1 $0xFFFFFFFF, s11;
	s17 =	smul.u32 @!p1 $0xC80, s10  }
0x23: {  	s31 =	sadd.s32 $0xFFFFFFFF, s11;
	s16 =	sshll.u32 @!p1 s16, $0xD;
	s14 =	ssub.s32 @!p1 s14, s15  }
0x24: {  	s15 =	sand.u32 @!p1 $0x2000, s16;
	s16 =	sadd.s32 @!p1 s6, s17;
	s14 =	sshll.u32 @!p1 s14, $0x4  }
0x25: {  	s17 =	simm.s32 @!p1 $0x6400;
	s14 =	sadd.s32 @!p1 s14, s16;
	s16 =	simm.s32 @!p1 $0x40  }
0x26: {  	[tilespmem:s15], [sflag:$0x1] =	stream.strided.gather @!p1 [hbm4b:s14+s16], $0x2000, s17, s16, $0x38;
	[tilespmem:$0x8080] =	vst v63  }
0x27: {  	p1 =	sge.u32 s31, s5  }
.Ltmp2:
0x28: {  	_ = 	snop;
	(pc) =	sbr.rel @p1 .LBB1_5-.Ltmp2, $1  }
0x29: {  	_ =	sdelay $0x3  }
0x2a: {  	s14 =	simm.s32 $0x1  }
0x2b: {  	_ =	swait.ge [sflag:s4], $0x2000;
	s14 =	simm.s32 @!p0 $0x0  }
0x2c: {  	[sflag:s4] =	ssyncset.done $0x0;
	s15 =	sshll.u32 s14, $0xD  }
0x2d: {  	[sflag:s4] =	ssyncadd.s32 $0xFFFFE000;
	s18 =	sor.u32 $0x20, s15  }
0x2e: {  	s14 =	smul.u32 $0x8100, s14;
	v3 =	vld [tilespmem:s18+$0x10]  }
0x2f: {  	s30 =	sand.u32 $0x1, s11;
	v2 =	vld [tilespmem:s18+$0xFFFFFFF0]  }
0x30: {  	s15 =	smul.u32 $0x8100, s30;
	s14 =	sshrl.u32 s14, $0x2;
	v0 =	vld [tilespmem:s18+$0x0]  }
0x31: {  	v1 =	vld [tilespmem:s18+$0xFFFFFFE0];
	s16 =	sor.u32 $0x4000, s14  }
0x32: {  	s31 =	sshrl.u32 s15, $0x2;
	s15 =	sadd.s32 $0x0, s16  }
0x33: {  	s17 =	simm.s32 $0x4;
	s18 =	sadd.s32 $0x40, s18;
	s14 =	sor.u32 $0x4000, s31;
	[tilespmem:s15+$0x1830 ss:$0x81] =	vst.msk $0xffff, v3  }
.LBB1_3:
0x34: {  	v3 =	vld [tilespmem:s18+$0x10];
	p1 =	sne.s32 s17, $0x1FC;
	[tilespmem:s15+$0x810 ss:$0x81] =	vst.msk $0xffff, v2;
	s19 =	smov.u32 s17;
	s17 =	sadd.s32 $0x4, s17  }
.Ltmp3:
0x35: {  	v2 =	vld [tilespmem:s18+$0xFFFFFFF0];
	[tilespmem:s15+$0x1020 ss:$0x81] =	vst.msk $0xffff, v0;
	(pc) =	sbr.rel @p1 .LBB1_3-.Ltmp3, $4  }
0x36: {  	v0 =	vld [tilespmem:s18+$0x0];
	[tilespmem:s15+$0x0 ss:$0x81] =	vst.msk $0xffff, v1  }
0x37: {  	s15 =	sshra.s32 s19, $0x2;
	v1 =	vld [tilespmem:s18+$0xFFFFFFE0]  }
0x38: {  	s15 =	sadd.s32 s15, s16  }
0x39: {  	s18 =	sadd.s32 $0x40, s18;
	[tilespmem:s15+$0x1830 ss:$0x81] =	vst.msk $0xffff, v3  }
.Ltmp4:
0x3a: {  	_ = 	snop;
	(pc) =	sbr.rel .LBB1_4-.Ltmp4, $1  }
0x3b: {  	_ =	sdelay $0x3  }
.LBB1_6:
0x3c: {  	_ =	sfence.sel $0x180000  }
0x3d: {  	s2 =	simm.s32 $0x1;
	[bflag:$0x0] =	sbarrier.arrive $0xFFFF  }
0x3e: {  	s31 =	simm.s32 $0x2;
	[sflag:s2] =	ssyncpa.u1 $0x1  }
0x3f: {  	[sflag:s31] =	ssyncpa.u1 $0x1  }
0x40: {  	p0 =	sne.s32 s0, $0x0;
	_ =	strace $0x9000004A  }
0x41: {  	s0 =	sadd.s32 @!p0 $0x100000, s1;
	[bflag:$0x2] =	sbarrier.arrive $0xFFFF  }
0x42: {  	[sflag:s0] =	ssyncadd.tile.s32 @!p0 $0x1;
	_ =	shalt  }
.Lfunc_end1:
_tile_overlayer_lowered:
.L_overlay_start_2:
0x43: {  	(tag) =	ssettag $0x2  }
0x44: {  	s0 =	rddreg [dreg:$0x0];
	s2 =	stileid.u32  }
0x45: {  	s1 =	rddreg [dreg:$0x1];
	p0 =	sne.s32 s2, $0x0  }
0x46: {  	s3 =	rddreg [dreg:$0x2];
	[bflag:$0x3] =	sbarrier.arrive $0xFFFF;
	s2 =	simm.s32 @!p0 $0x1C01  }
0x47: {  	[timem:s3], [sflag:s2] =	dma.local @!p0 [hbm:s0], s1  }
0x48: {  	s0 =	simm.s32 @!p0 $0x1  }
0x49: {  	_ =	swait.ge @!p0 [sflag:s0], s1  }
0x4a: {  	s1 =	ssub.s32 @!p0 $0x0, s1;
	[sflag:s0] =	ssyncset.done @!p0 $0x0  }
0x4b: {  	[sflag:s0] =	ssyncadd.s32 @!p0 s1  }
0x4c: {  	[bflag:$0x3] =	sbarrier.arrive $0xFFFF  }
0x4d: {  	_ =	shalt  }

</sc_bundles>
